<compile_context>
chip_gen: v7x
topology: tpu7x:2x2x1
jax: 0.10.2.dev20260603
libtpu: 0.0.44.dev20260713+nightly
codegen_flags: <defaults>
</compile_context>

<pallas_src>
import functools

import jax
import jax.numpy as jnp
from jax import lax
from jax.experimental import pallas as pl
from jax.experimental.pallas import tpu as pltpu
from jax.experimental.pallas import tpu_sc as plsc

B = 16
T = 2048
D = 128
H = 8
NB = 32
BS = 64
S = H * T
NCHUNK = S // BS
G = B * NCHUNK
ROWS = B * S
NW = 32
RPW = ROWS // NW
CH = 128
SELF_ATTN_VALUE = -50000.0


def _hash_body(qkt_ref, r_ref, out_ref):
    x = qkt_ref[0]
    r = r_ref[...]
    rot = jnp.dot(r, x, preferred_element_type=jnp.float32)
    rows = []
    for h in range(H):
        rh = rot[h * 16:(h + 1) * 16]
        a = jnp.maximum(rh, -rh)
        a8 = jnp.maximum(a[0:8], a[8:16])
        m = jnp.max(a8, axis=0, keepdims=True)
        iota = lax.broadcasted_iota(jnp.int32, (16, T), 0)
        candp = jnp.where(rh >= m, iota, NB)
        candn = jnp.where(-rh >= m, iota + 16, NB)
        cand = jnp.minimum(candp, candn)
        c8 = jnp.minimum(cand[0:8], cand[8:16])
        idx = jnp.min(c8, axis=0, keepdims=True)
        rows.append(idx + h * NB)
    bucket = jnp.concatenate(rows, axis=0)
    out_ref[0] = bucket * T + lax.broadcasted_iota(jnp.int32, (H, T), 1)


def _hash_keys(qk_t, rmat_t):
    return pl.pallas_call(
        _hash_body,
        grid=(B,),
        in_specs=[
            pl.BlockSpec((1, D, T), lambda b: (b, 0, 0)),
            pl.BlockSpec((128, D), lambda b: (0, 0)),
        ],
        out_specs=pl.BlockSpec((1, H, T), lambda b: (b, 0, 0)),
        out_shape=jax.ShapeDtypeStruct((B, H, T), jnp.int32),
    )(qk_t, rmat_t)


def _make_sc_gather():
    mesh = plsc.VectorSubcoreMesh(core_axis_name="c", subcore_axis_name="s")

    @functools.partial(
        pl.kernel,
        mesh=mesh,
        out_type=[
            jax.ShapeDtypeStruct((ROWS, D), jnp.float32),
            jax.ShapeDtypeStruct((ROWS, D), jnp.float32),
        ],
        scratch_types=[
            pltpu.VMEM((RPW,), jnp.int32),
            pltpu.VMEM((CH, D), jnp.float32),
            pltpu.VMEM((CH, D), jnp.float32),
            pltpu.SemaphoreType.DMA,
            pltpu.SemaphoreType.DMA,
        ],
    )
    def gather(idx_hbm, qk_hbm, v_hbm, sqk_hbm, sv_hbm,
               idx_v, bufq, bufv, sem1, sem2):
        wid = lax.axis_index("s") * 2 + lax.axis_index("c")
        base = wid * RPW
        pltpu.sync_copy(idx_hbm.at[pl.ds(base, RPW)], idx_v)

        def body(i, carry):
            off = i * CH
            cq = pltpu.async_copy(
                qk_hbm.at[idx_v.at[pl.ds(off, CH)]], bufq, sem1)
            cv = pltpu.async_copy(
                v_hbm.at[idx_v.at[pl.ds(off, CH)]], bufv, sem2)
            cq.wait()
            cv.wait()
            pltpu.sync_copy(bufq, sqk_hbm.at[pl.ds(base + off, CH)])
            pltpu.sync_copy(bufv, sv_hbm.at[pl.ds(base + off, CH)])
            return carry

        lax.fori_loop(0, RPW // CH, body, 0)

    return gather


def _make_sc_unsort():
    mesh = plsc.VectorSubcoreMesh(core_axis_name="c", subcore_axis_name="s")

    @functools.partial(
        pl.kernel,
        mesh=mesh,
        compiler_params=pltpu.CompilerParams(use_tc_tiling_on_sc=False),
        out_type=[
            jax.ShapeDtypeStruct((ROWS, D), jnp.float32),
            jax.ShapeDtypeStruct((ROWS, 16), jnp.float32),
        ],
        scratch_types=[
            pltpu.VMEM((RPW // CH, CH), jnp.int32),
            pltpu.VMEM((RPW // CH, CH), jnp.int32),
            pltpu.VMEM((CH, D), jnp.float32),
            pltpu.VMEM((CH, 16), jnp.float32),
            pltpu.SemaphoreType.DMA,
            pltpu.SemaphoreType.DMA,
        ],
    )
    def unsort(idxo_hbm, idxl_hbm, so_hbm, slog_hbm, otok_hbm, ltok_hbm,
               idxo_v, idxl_v, buf, bufl, sem, seml):
        wid = lax.axis_index("s") * 2 + lax.axis_index("c")
        base = wid * RPW
        pltpu.sync_copy(idxo_hbm.at[wid], idxo_v)
        pltpu.sync_copy(idxl_hbm.at[wid], idxl_v)

        def rows(i, carry):
            off = i * CH
            pltpu.sync_copy(so_hbm.at[pl.ds(base + off, CH)], buf)
            pltpu.sync_copy(slog_hbm.at[pl.ds(base + off, CH)], bufl)
            co = pltpu.async_copy(buf, otok_hbm.at[idxo_v.at[i]], sem)
            cl = pltpu.async_copy(bufl, ltok_hbm.at[idxl_v.at[i]], seml)
            co.wait()
            cl.wait()
            return carry

        lax.fori_loop(0, RPW // CH, rows, 0)

    return unsort


NCH = 8
MB = NCH * BS
GSTEPS = G // NCH


def _attn_body(rows_ref, pedge_ref, idl_ref, idlp_ref, idc_ref,
               vrows_ref, vpedge_ref, so_ref, slog_ref):
    rows = rows_ref[0]
    k_all = jnp.concatenate([pedge_ref[0], rows], axis=0)
    nrm = jnp.sqrt(jnp.sum(k_all * k_all, axis=1, keepdims=True))
    k_all = k_all / jnp.maximum(nrm, 1e-12)

    q8 = rows.reshape(NCH, BS, D)
    k_cat = jnp.concatenate(
        [k_all[BS:].reshape(NCH, BS, D),
         k_all[:MB].reshape(NCH, BS, D)], axis=1)
    dots = lax.dot_general(
        q8.astype(jnp.bfloat16), k_cat.astype(jnp.bfloat16),
        (((2,), (2,)), ((0,), (0,))),
        preferred_element_type=jnp.float32) * (D ** -0.5)

    qid = idc_ref[0].reshape(NCH, BS, 1)
    kid = jnp.concatenate([idl_ref[:, 0], idlp_ref[:, 0]],
                          axis=1).reshape(NCH, 1, 2 * BS)
    dots = jnp.where(qid == kid, SELF_ATTN_VALUE, dots)

    m = jnp.max(dots, axis=2, keepdims=True)
    e = jnp.exp(dots - m)
    s = jnp.sum(e, axis=2, keepdims=True)
    p = e / s

    v_all = jnp.concatenate([vpedge_ref[0], vrows_ref[0]], axis=0)
    v_cat = jnp.concatenate(
        [v_all[BS:].reshape(NCH, BS, D),
         v_all[:MB].reshape(NCH, BS, D)], axis=1)
    bo = lax.dot_general(
        p.astype(jnp.bfloat16), v_cat.astype(jnp.bfloat16),
        (((2,), (1,)), ((0,), (0,))),
        preferred_element_type=jnp.float32)
    so_ref[0] = bo.reshape(MB, D)
    slog_ref[0] = jnp.broadcast_to(
        (jnp.log(s) + m).reshape(MB, 1), (MB, 16))


def _pedge_map(g):
    c0 = g * NCH
    return jnp.where(c0 % NCHUNK == 0, c0 + NCHUNK - 1, c0 - 1)


def _attention(sqk, sv, st, st_prev):
    rows = sqk.reshape(GSTEPS, MB, D)
    vrows = sv.reshape(GSTEPS, MB, D)
    id_lane_c = st.reshape(G, 1, BS)
    id_lane_p = st_prev.reshape(G, 1, BS)
    id_col = st.reshape(GSTEPS, MB, 1)
    return pl.pallas_call(
        _attn_body,
        grid=(GSTEPS,),
        in_specs=[
            pl.BlockSpec((1, MB, D), lambda g: (g, 0, 0)),
            pl.BlockSpec((1, BS, D), lambda g: (_pedge_map(g), 0, 0)),
            pl.BlockSpec((NCH, 1, BS), lambda g: (g, 0, 0)),
            pl.BlockSpec((NCH, 1, BS), lambda g: (g, 0, 0)),
            pl.BlockSpec((1, MB, 1), lambda g: (g, 0, 0)),
            pl.BlockSpec((1, MB, D), lambda g: (g, 0, 0)),
            pl.BlockSpec((1, BS, D), lambda g: (_pedge_map(g), 0, 0)),
        ],
        out_specs=[
            pl.BlockSpec((1, MB, D), lambda g: (g, 0, 0)),
            pl.BlockSpec((1, MB, 16), lambda g: (g, 0, 0)),
        ],
        out_shape=[
            jax.ShapeDtypeStruct((GSTEPS, MB, D), jnp.float32),
            jax.ShapeDtypeStruct((GSTEPS, MB, 16), jnp.float32),
        ],
    )(rows, sqk, id_lane_c, id_lane_p, id_col, vrows, sv)


_TB = 256


def _combine_body(o_ref, l_ref, out_ref):
    l = l_ref[0][:, :, 0]
    m = jnp.max(l, axis=1, keepdims=True)
    e = jnp.exp(l - m)
    w = e / jnp.sum(e, axis=1, keepdims=True)
    expand = jnp.where(
        lax.broadcasted_iota(jnp.int32, (H, H * D), 1) // D
        == lax.broadcasted_iota(jnp.int32, (H, H * D), 0),
        1.0, 0.0)
    wb = jnp.dot(w, expand, preferred_element_type=jnp.float32)
    acc = jnp.zeros((_TB, D), jnp.float32)
    for h in range(H):
        acc = acc + o_ref[0, h] * wb[:, h * D:(h + 1) * D]
    out_ref[0] = acc


def _combine(o_tok, l_tok):
    return pl.pallas_call(
        _combine_body,
        grid=(B, T // _TB),
        in_specs=[
            pl.BlockSpec((1, H, _TB, D), lambda b, t: (b, 0, t, 0)),
            pl.BlockSpec((1, _TB, H, 16), lambda b, t: (b, t, 0, 0)),
        ],
        out_specs=pl.BlockSpec((1, _TB, D), lambda b, t: (b, t, 0)),
        out_shape=jax.ShapeDtypeStruct((B, T, D), jnp.float32),
    )(o_tok, l_tok)


@jax.jit
def _run(qk, v):
    rot = jax.random.normal(
        jax.random.key(42), (1, D, H, NB // 2), dtype=jnp.float32)
    rmat_t = rot[0].reshape(D, H * (NB // 2)).T

    keys = _hash_keys(qk.transpose(0, 2, 1), rmat_t).reshape(B, S)
    sort_idx = jnp.argsort(keys, axis=-1).astype(jnp.int32)
    st = (sort_idx % T).astype(jnp.int32)

    gather_idx = (st + jnp.arange(B, dtype=jnp.int32)[:, None] * T
                  ).reshape(ROWS)
    sc_gather = _make_sc_gather()
    sqk, sv = sc_gather(gather_idx, qk.reshape(B * T, D), v.reshape(B * T, D))

    st_prev = jnp.roll(st, BS, axis=1)
    so, slog = _attention(
        sqk.reshape(G, BS, D), sv.reshape(G, BS, D),
        st.reshape(G, BS), st_prev.reshape(G, BS))

    harr = (jnp.arange(S, dtype=jnp.int32) // T)[None, :]
    boff = jnp.arange(B, dtype=jnp.int32)[:, None] * S
    dst_o = (harr * T + st + boff).reshape(NW, RPW // CH, CH)
    dst_l = (st * H + harr + boff).reshape(NW, RPW // CH, CH)
    sc_unsort = _make_sc_unsort()
    o_tok, l_tok = sc_unsort(
        dst_o, dst_l, so.reshape(ROWS, D), slog.reshape(ROWS, 16))

    return _combine(o_tok.reshape(B, H, T, D), l_tok.reshape(B, T, H, 16))


def kernel(qk, v):
    return _run(qk, v)

# --- scband reference (transcript-rebuilt; emitter-appended) ---
"""Pipeline reference for scband-lshattention-69672959475820 (READ-ONLY COPY).

The authoritative reference and input builder live on the scoring server;
editing this copy changes nothing except your own understanding.
"""

import jax, jax.numpy as jnp
import numpy as np

TOKEN_SELF_ATTN_VALUE = -50000.0
BUCKET_SIZE = 64
N_HASHES = 8


def setup_inputs(seed: int = 0):
    key = jax.random.key(seed)
    k1, k2 = jax.random.split(key)
    qk = jax.random.normal(k1, (16, 2048, 128), dtype=jnp.float32)
    v = jax.random.normal(k2, (16, 2048, 128), dtype=jnp.float32)
    return {"qk": qk, "v": v}


def _hash_vectors(vecs, n_buckets, n_hashes):
    # torch: random_rotations = torch.randn((1, dim, n_hashes, rot_size//2)).expand(batch, ...)
    batch_size, seqlen, dim = vecs.shape
    rot_size = n_buckets
    rotations = jax.random.normal(jax.random.key(42), (1, dim, n_hashes, rot_size // 2), dtype=vecs.dtype)
    rotations = jnp.broadcast_to(rotations, (batch_size, dim, n_hashes, rot_size // 2))
    rotated = jnp.einsum('btf,bfhi->bhti', vecs, rotations)
    rotated = jnp.concatenate([rotated, -rotated], axis=-1)
    buckets = jnp.argmax(rotated, axis=-1)  # [b, n_hashes, t]
    offsets = (jnp.arange(n_hashes) * n_buckets).reshape(1, -1, 1)
    buckets = buckets + offsets
    return buckets.reshape(batch_size, -1)


def _look_one_back(x):
    x_extra = jnp.concatenate([x[:, -1:, ...], x[:, :-1, ...]], axis=1)
    return jnp.concatenate([x, x_extra], axis=2)


def _lsh_attention(qk, v):
    batch_size, seqlen, dim = qk.shape
    bucket_size, n_hashes = BUCKET_SIZE, N_HASHES
    assert seqlen % (bucket_size * 2) == 0
    n_buckets = seqlen // bucket_size
    total_hashes = n_hashes

    buckets = _hash_vectors(jax.lax.stop_gradient(qk), n_buckets, n_hashes)
    # ticker / bucket-sort (buckets_and_t keys are unique, so sort order is well defined)
    ticker = jnp.broadcast_to(jnp.arange(total_hashes * seqlen)[None, :], buckets.shape)
    buckets_and_t = seqlen * buckets + (ticker % seqlen)
    sort_idx = jnp.argsort(buckets_and_t, axis=-1)
    sticker = jnp.take_along_axis(ticker, sort_idx, axis=-1)
    undo_sort = jnp.argsort(sticker, axis=-1)

    st = sticker % seqlen
    sqk = jnp.take_along_axis(qk, st[:, :, None], axis=1)
    sv = jnp.take_along_axis(v, st[:, :, None], axis=1)

    chunk_size = total_hashes * n_buckets
    bq_t = st.reshape(batch_size, chunk_size, -1)
    bkv_t = bq_t
    bqk = sqk.reshape(batch_size, chunk_size, -1, dim)
    bv = sv.reshape(batch_size, chunk_size, -1, dim)

    bq = bqk
    # F.normalize(bqk, p=2, dim=-1)
    bk = bqk / jnp.maximum(jnp.linalg.norm(bqk, axis=-1, keepdims=True), 1e-12)

    bk = _look_one_back(bk)
    bv = _look_one_back(bv)
    bkv_t = _look_one_back(bkv_t)

    dots = jnp.einsum('bhie,bhje->bhij', bq, bk) * (dim ** -0.5)

    # mask out attention to self except when no other targets available
    self_mask = bq_t[:, :, :, None] == bkv_t[:, :, None, :]
    dots = jnp.where(self_mask, TOKEN_SELF_ATTN_VALUE, dots)

    dots_logsumexp = jax.scipy.special.logsumexp(dots, axis=-1, keepdims=True)
    dots = jnp.exp(dots - dots_logsumexp)
    bo = jnp.einsum('buij,buje->buie', dots, bv)
    so = bo.reshape(batch_size, -1, dim)
    slogits = dots_logsumexp.reshape(batch_size, -1)

    # unsort
    o = jnp.take_along_axis(so, undo_sort[:, :, None], axis=1)
    logits = jnp.take_along_axis(slogits, undo_sort, axis=1)

    o = o.reshape(batch_size, total_hashes, seqlen, dim)
    logits = logits.reshape(batch_size, total_hashes, seqlen, 1)

    probs = jnp.exp(logits - jax.scipy.special.logsumexp(logits, axis=1, keepdims=True))
    out = jnp.sum(o * probs, axis=1)
    return out


def reference(qk, v):
    return _lsh_attention(qk, v)

if __name__ == "__main__":
    import jax
    _d = setup_inputs()
    print(jax.jit(kernel)(*tuple(_d.values())))

</pallas_src>

<mosaic_0001>
#map = affine_map<(d0, d1) -> (0)>
#map1 = affine_map<(d0, d1) -> (0, 0)>
module attributes {stable_mosaic.version = 14 : i64} {
  func.func @gather(%arg0: i32, %arg1: i32, %arg2: memref<262144xi32, #tpu.memory_space<hbm>>, %arg3: memref<32768x128xf32, #tpu.memory_space<hbm>>, %arg4: memref<32768x128xf32, #tpu.memory_space<hbm>>, %arg5: memref<262144x128xf32, #tpu.memory_space<hbm>>, %arg6: memref<262144x128xf32, #tpu.memory_space<hbm>>, %arg7: memref<8192xi32, #tpu.memory_space<vmem>>, %arg8: memref<128x128xf32, #tpu.memory_space<vmem>>, %arg9: memref<128x128xf32, #tpu.memory_space<vmem>>, %arg10: memref<!tpu.dma_semaphore, #tpu.memory_space<semaphore_mem>>, %arg11: memref<!tpu.dma_semaphore, #tpu.memory_space<semaphore_mem>>) attributes {dimension_semantics = [#tpu.dimension_semantics<core_parallel>, #tpu.dimension_semantics<subcore_parallel>], iteration_bounds = array<i64: 2, 16>, scalar_prefetch = 0 : i64, scratch_operands = 5 : i64, tpu.core_type = #tpu.core_type<sc_vector_subcore>, window_params = [{transform_indices = #map}, {transform_indices = #map1}, {transform_indices = #map1}, {transform_indices = #map1}, {transform_indices = #map1}]} {
    %mul3A = arith.constant 2 : i32
    %mul3A_0 = arith.muli %arg1, %mul3A : i32
    %add3A = arith.addi %mul3A_0, %arg0 : i32
    %mul3A_1 = arith.constant 8192 : i32
    %mul3A_2 = arith.muli %add3A, %mul3A_1 : i32
    "tpu.region"() ({
      %run_scoped3A = tpu.sem_alloc : memref<!tpu.dma_semaphore, #tpu.memory_space<semaphore_mem>>
      %dma_start3A = tpu.memref_slice %arg2[%mul3A_2] : memref<262144xi32, #tpu.memory_space<hbm>> -> memref<8192xi32, #tpu.memory_space<hbm>>
      %dma_start3A_8 = tpu.memref_slice %arg2[%mul3A_2] : memref<262144xi32, #tpu.memory_space<hbm>> -> memref<8192xi32, #tpu.memory_space<hbm>>
      tpu.enqueue_dma source(%dma_start3A_8 : memref<8192xi32, #tpu.memory_space<hbm>>) target(%arg7 : memref<8192xi32, #tpu.memory_space<vmem>>) target_semaphore(%run_scoped3A : memref<!tpu.dma_semaphore, #tpu.memory_space<semaphore_mem>>)
      %dma_wait3A = tpu.memref_slice %arg2[%mul3A_2] : memref<262144xi32, #tpu.memory_space<hbm>> -> memref<8192xi32, #tpu.memory_space<hbm>>
      %dma_wait3A_9 = tpu.memref_slice %arg2[%mul3A_2] : memref<262144xi32, #tpu.memory_space<hbm>> -> memref<8192xi32, #tpu.memory_space<hbm>>
      tpu.wait_dma2 semaphore(%run_scoped3A : memref<!tpu.dma_semaphore, #tpu.memory_space<semaphore_mem>>) src(%dma_wait3A_9 : memref<8192xi32, #tpu.memory_space<hbm>>) dst(%arg7 : memref<8192xi32, #tpu.memory_space<vmem>>)
      tpu.yield
    }) : () -> ()
    %scan3A = arith.constant 0 : i32
    %scan3A_3 = arith.constant 0 : i32
    %scan3A_4 = arith.constant 64 : i32
    %scan3A_5 = arith.addi %scan3A_3, %scan3A_4 : i32
    %scan3A_6 = arith.constant 1 : i32
    scf.for %scan3A_8 = %scan3A_3 to %scan3A_5 step %scan3A_6  : i32 {
      %mul3A_9 = arith.constant 128 : i32
      %mul3A_10 = arith.muli %scan3A_8, %mul3A_9 : i32
      %dma_start3A = tpu.memref_slice %arg7[%mul3A_10] : memref<8192xi32, #tpu.memory_space<vmem>> -> memref<128xi32, #tpu.memory_space<vmem>>
      %dma_start3A_11 = arith.constant 0 : i32
      %dma_start3A_12 = arith.constant 0 : i32
      %dma_start3A_13 = tpu.memref_slice %arg3[%dma_start3A_11, %dma_start3A_12] : memref<32768x128xf32, #tpu.memory_space<hbm>> -> memref<32768x128xf32, #tpu.memory_space<hbm>>
      tpu.enqueue_indirect_dma source(%dma_start3A_13 : memref<32768x128xf32, #tpu.memory_space<hbm>>) target(%arg8 : memref<128x128xf32, #tpu.memory_space<vmem>>) offsets(%dma_start3A : memref<128xi32, #tpu.memory_space<vmem>>) semaphore(%arg10 : memref<!tpu.dma_semaphore, #tpu.memory_space<semaphore_mem>>)
      %dma_start3A_14 = tpu.memref_slice %arg7[%mul3A_10] : memref<8192xi32, #tpu.memory_space<vmem>> -> memref<128xi32, #tpu.memory_space<vmem>>
      %dma_start3A_15 = arith.constant 0 : i32
      %dma_start3A_16 = arith.constant 0 : i32
      %dma_start3A_17 = tpu.memref_slice %arg4[%dma_start3A_15, %dma_start3A_16] : memref<32768x128xf32, #tpu.memory_space<hbm>> -> memref<32768x128xf32, #tpu.memory_space<hbm>>
      tpu.enqueue_indirect_dma source(%dma_start3A_17 : memref<32768x128xf32, #tpu.memory_space<hbm>>) target(%arg9 : memref<128x128xf32, #tpu.memory_space<vmem>>) offsets(%dma_start3A_14 : memref<128xi32, #tpu.memory_space<vmem>>) semaphore(%arg11 : memref<!tpu.dma_semaphore, #tpu.memory_space<semaphore_mem>>)
      %dma_wait3A = tpu.memref_slice %arg7[%mul3A_10] : memref<8192xi32, #tpu.memory_space<vmem>> -> memref<128xi32, #tpu.memory_space<vmem>>
      %dma_wait3A_18 = arith.constant 0 : i32
      %dma_wait3A_19 = arith.constant 0 : i32
      %dma_wait3A_20 = tpu.memref_slice %arg3[%dma_wait3A_18, %dma_wait3A_19] : memref<32768x128xf32, #tpu.memory_space<hbm>> -> memref<32768x128xf32, #tpu.memory_space<hbm>>
      tpu.wait_indirect_dma semaphore(%arg10 : memref<!tpu.dma_semaphore, #tpu.memory_space<semaphore_mem>>) src(%dma_wait3A_20 : memref<32768x128xf32, #tpu.memory_space<hbm>>) dst(%arg8 : memref<128x128xf32, #tpu.memory_space<vmem>>)
      %dma_wait3A_21 = tpu.memref_slice %arg7[%mul3A_10] : memref<8192xi32, #tpu.memory_space<vmem>> -> memref<128xi32, #tpu.memory_space<vmem>>
      %dma_wait3A_22 = arith.constant 0 : i32
      %dma_wait3A_23 = arith.constant 0 : i32
      %dma_wait3A_24 = tpu.memref_slice %arg4[%dma_wait3A_22, %dma_wait3A_23] : memref<32768x128xf32, #tpu.memory_space<hbm>> -> memref<32768x128xf32, #tpu.memory_space<hbm>>
      tpu.wait_indirect_dma semaphore(%arg11 : memref<!tpu.dma_semaphore, #tpu.memory_space<semaphore_mem>>) src(%dma_wait3A_24 : memref<32768x128xf32, #tpu.memory_space<hbm>>) dst(%arg9 : memref<128x128xf32, #tpu.memory_space<vmem>>)
      %add3A_25 = arith.addi %mul3A_2, %mul3A_10 : i32
      "tpu.region"() ({
        %run_scoped3A = tpu.sem_alloc : memref<!tpu.dma_semaphore, #tpu.memory_space<semaphore_mem>>
        %dma_start3A_27 = arith.constant 0 : i32
        %dma_start3A_28 = tpu.memref_slice %arg5[%add3A_25, %dma_start3A_27] : memref<262144x128xf32, #tpu.memory_space<hbm>> -> memref<128x128xf32, #tpu.memory_space<hbm>>
        %dma_start3A_29 = arith.constant 0 : i32
        %dma_start3A_30 = tpu.memref_slice %arg5[%add3A_25, %dma_start3A_29] : memref<262144x128xf32, #tpu.memory_space<hbm>> -> memref<128x128xf32, #tpu.memory_space<hbm>>
        tpu.enqueue_dma source(%arg8 : memref<128x128xf32, #tpu.memory_space<vmem>>) target(%dma_start3A_30 : memref<128x128xf32, #tpu.memory_space<hbm>>) target_semaphore(%run_scoped3A : memref<!tpu.dma_semaphore, #tpu.memory_space<semaphore_mem>>)
        %dma_wait3A_31 = arith.constant 0 : i32
        %dma_wait3A_32 = tpu.memref_slice %arg5[%add3A_25, %dma_wait3A_31] : memref<262144x128xf32, #tpu.memory_space<hbm>> -> memref<128x128xf32, #tpu.memory_space<hbm>>
        %dma_wait3A_33 = arith.constant 0 : i32
        %dma_wait3A_34 = tpu.memref_slice %arg5[%add3A_25, %dma_wait3A_33] : memref<262144x128xf32, #tpu.memory_space<hbm>> -> memref<128x128xf32, #tpu.memory_space<hbm>>
        tpu.wait_dma2 semaphore(%run_scoped3A : memref<!tpu.dma_semaphore, #tpu.memory_space<semaphore_mem>>) src(%arg8 : memref<128x128xf32, #tpu.memory_space<vmem>>) dst(%dma_wait3A_34 : memref<128x128xf32, #tpu.memory_space<hbm>>)
        tpu.yield
      }) : () -> ()
      %add3A_26 = arith.addi %mul3A_2, %mul3A_10 : i32
      "tpu.region"() ({
        %run_scoped3A = tpu.sem_alloc : memref<!tpu.dma_semaphore, #tpu.memory_space<semaphore_mem>>
        %dma_start3A_27 = arith.constant 0 : i32
        %dma_start3A_28 = tpu.memref_slice %arg6[%add3A_26, %dma_start3A_27] : memref<262144x128xf32, #tpu.memory_space<hbm>> -> memref<128x128xf32, #tpu.memory_space<hbm>>
        %dma_start3A_29 = arith.constant 0 : i32
        %dma_start3A_30 = tpu.memref_slice %arg6[%add3A_26, %dma_start3A_29] : memref<262144x128xf32, #tpu.memory_space<hbm>> -> memref<128x128xf32, #tpu.memory_space<hbm>>
        tpu.enqueue_dma source(%arg9 : memref<128x128xf32, #tpu.memory_space<vmem>>) target(%dma_start3A_30 : memref<128x128xf32, #tpu.memory_space<hbm>>) target_semaphore(%run_scoped3A : memref<!tpu.dma_semaphore, #tpu.memory_space<semaphore_mem>>)
        %dma_wait3A_31 = arith.constant 0 : i32
        %dma_wait3A_32 = tpu.memref_slice %arg6[%add3A_26, %dma_wait3A_31] : memref<262144x128xf32, #tpu.memory_space<hbm>> -> memref<128x128xf32, #tpu.memory_space<hbm>>
        %dma_wait3A_33 = arith.constant 0 : i32
        %dma_wait3A_34 = tpu.memref_slice %arg6[%add3A_26, %dma_wait3A_33] : memref<262144x128xf32, #tpu.memory_space<hbm>> -> memref<128x128xf32, #tpu.memory_space<hbm>>
        tpu.wait_dma2 semaphore(%run_scoped3A : memref<!tpu.dma_semaphore, #tpu.memory_space<semaphore_mem>>) src(%arg9 : memref<128x128xf32, #tpu.memory_space<vmem>>) dst(%dma_wait3A_34 : memref<128x128xf32, #tpu.memory_space<hbm>>)
        tpu.yield
      }) : () -> ()
    }
    %scan3A_7 = arith.constant 64 : i32
    return
  }
}

#map = affine_map<(d0, d1) -> (0, 0, 0)>
#map1 = affine_map<(d0, d1) -> (0, 0)>
module attributes {stable_mosaic.version = 14 : i64} {
  func.func @unsort(%arg0: i32, %arg1: i32, %arg2: memref<32x64x128xi32, #tpu.memory_space<hbm>>, %arg3: memref<32x64x128xi32, #tpu.memory_space<hbm>>, %arg4: memref<262144x128xf32, #tpu.memory_space<hbm>>, %arg5: memref<262144x16xf32, #tpu.memory_space<hbm>>, %arg6: memref<262144x128xf32, #tpu.memory_space<hbm>>, %arg7: memref<262144x16xf32, #tpu.memory_space<hbm>>, %arg8: memref<64x128xi32, #tpu.memory_space<vmem>>, %arg9: memref<64x128xi32, #tpu.memory_space<vmem>>, %arg10: memref<128x128xf32, #tpu.memory_space<vmem>>, %arg11: memref<128x16xf32, #tpu.memory_space<vmem>>, %arg12: memref<!tpu.dma_semaphore, #tpu.memory_space<semaphore_mem>>, %arg13: memref<!tpu.dma_semaphore, #tpu.memory_space<semaphore_mem>>) attributes {dimension_semantics = [#tpu.dimension_semantics<core_parallel>, #tpu.dimension_semantics<subcore_parallel>], iteration_bounds = array<i64: 2, 16>, scalar_prefetch = 0 : i64, scratch_operands = 6 : i64, tpu.core_type = #tpu.core_type<sc_vector_subcore>, window_params = [{transform_indices = #map}, {transform_indices = #map}, {transform_indices = #map1}, {transform_indices = #map1}, {transform_indices = #map1}, {transform_indices = #map1}]} {
    %mul3A = arith.constant 2 : i32
    %mul3A_0 = arith.muli %arg1, %mul3A : i32
    %add3A = arith.addi %mul3A_0, %arg0 : i32
    %mul3A_1 = arith.constant 8192 : i32
    %mul3A_2 = arith.muli %add3A, %mul3A_1 : i32
    "tpu.region"() ({
      %run_scoped3A = tpu.sem_alloc : memref<!tpu.dma_semaphore, #tpu.memory_space<semaphore_mem>>
      %dma_start3A = arith.constant 0 : i32
      %dma_start3A_8 = arith.constant 0 : i32
      %dma_start3A_9 = tpu.memref_slice %arg2[%add3A, %dma_start3A, %dma_start3A_8] : memref<32x64x128xi32, #tpu.memory_space<hbm>> -> memref<1x64x128xi32, #tpu.memory_space<hbm>>
      %dma_start3A_10 = tpu.memref_squeeze %dma_start3A_9 : memref<1x64x128xi32, #tpu.memory_space<hbm>> -> memref<64x128xi32, #tpu.memory_space<hbm>>
      %dma_start3A_11 = arith.constant 0 : i32
      %dma_start3A_12 = arith.constant 0 : i32
      %dma_start3A_13 = tpu.memref_slice %arg2[%add3A, %dma_start3A_11, %dma_start3A_12] : memref<32x64x128xi32, #tpu.memory_space<hbm>> -> memref<1x64x128xi32, #tpu.memory_space<hbm>>
      %dma_start3A_14 = tpu.memref_squeeze %dma_start3A_13 : memref<1x64x128xi32, #tpu.memory_space<hbm>> -> memref<64x128xi32, #tpu.memory_space<hbm>>
      tpu.enqueue_dma source(%dma_start3A_14 : memref<64x128xi32, #tpu.memory_space<hbm>>) target(%arg8 : memref<64x128xi32, #tpu.memory_space<vmem>>) target_semaphore(%run_scoped3A : memref<!tpu.dma_semaphore, #tpu.memory_space<semaphore_mem>>)
      %dma_wait3A = arith.constant 0 : i32
      %dma_wait3A_15 = arith.constant 0 : i32
      %dma_wait3A_16 = tpu.memref_slice %arg2[%add3A, %dma_wait3A, %dma_wait3A_15] : memref<32x64x128xi32, #tpu.memory_space<hbm>> -> memref<1x64x128xi32, #tpu.memory_space<hbm>>
      %dma_wait3A_17 = tpu.memref_squeeze %dma_wait3A_16 : memref<1x64x128xi32, #tpu.memory_space<hbm>> -> memref<64x128xi32, #tpu.memory_space<hbm>>
      %dma_wait3A_18 = arith.constant 0 : i32
      %dma_wait3A_19 = arith.constant 0 : i32
      %dma_wait3A_20 = tpu.memref_slice %arg2[%add3A, %dma_wait3A_18, %dma_wait3A_19] : memref<32x64x128xi32, #tpu.memory_space<hbm>> -> memref<1x64x128xi32, #tpu.memory_space<hbm>>
      %dma_wait3A_21 = tpu.memref_squeeze %dma_wait3A_20 : memref<1x64x128xi32, #tpu.memory_space<hbm>> -> memref<64x128xi32, #tpu.memory_space<hbm>>
      tpu.wait_dma2 semaphore(%run_scoped3A : memref<!tpu.dma_semaphore, #tpu.memory_space<semaphore_mem>>) src(%dma_wait3A_21 : memref<64x128xi32, #tpu.memory_space<hbm>>) dst(%arg8 : memref<64x128xi32, #tpu.memory_space<vmem>>)
      tpu.yield
    }) : () -> ()
    "tpu.region"() ({
      %run_scoped3A = tpu.sem_alloc : memref<!tpu.dma_semaphore, #tpu.memory_space<semaphore_mem>>
      %dma_start3A = arith.constant 0 : i32
      %dma_start3A_8 = arith.constant 0 : i32
      %dma_start3A_9 = tpu.memref_slice %arg3[%add3A, %dma_start3A, %dma_start3A_8] : memref<32x64x128xi32, #tpu.memory_space<hbm>> -> memref<1x64x128xi32, #tpu.memory_space<hbm>>
      %dma_start3A_10 = tpu.memref_squeeze %dma_start3A_9 : memref<1x64x128xi32, #tpu.memory_space<hbm>> -> memref<64x128xi32, #tpu.memory_space<hbm>>
      %dma_start3A_11 = arith.constant 0 : i32
      %dma_start3A_12 = arith.constant 0 : i32
      %dma_start3A_13 = tpu.memref_slice %arg3[%add3A, %dma_start3A_11, %dma_start3A_12] : memref<32x64x128xi32, #tpu.memory_space<hbm>> -> memref<1x64x128xi32, #tpu.memory_space<hbm>>
      %dma_start3A_14 = tpu.memref_squeeze %dma_start3A_13 : memref<1x64x128xi32, #tpu.memory_space<hbm>> -> memref<64x128xi32, #tpu.memory_space<hbm>>
      tpu.enqueue_dma source(%dma_start3A_14 : memref<64x128xi32, #tpu.memory_space<hbm>>) target(%arg9 : memref<64x128xi32, #tpu.memory_space<vmem>>) target_semaphore(%run_scoped3A : memref<!tpu.dma_semaphore, #tpu.memory_space<semaphore_mem>>)
      %dma_wait3A = arith.constant 0 : i32
      %dma_wait3A_15 = arith.constant 0 : i32
      %dma_wait3A_16 = tpu.memref_slice %arg3[%add3A, %dma_wait3A, %dma_wait3A_15] : memref<32x64x128xi32, #tpu.memory_space<hbm>> -> memref<1x64x128xi32, #tpu.memory_space<hbm>>
      %dma_wait3A_17 = tpu.memref_squeeze %dma_wait3A_16 : memref<1x64x128xi32, #tpu.memory_space<hbm>> -> memref<64x128xi32, #tpu.memory_space<hbm>>
      %dma_wait3A_18 = arith.constant 0 : i32
      %dma_wait3A_19 = arith.constant 0 : i32
      %dma_wait3A_20 = tpu.memref_slice %arg3[%add3A, %dma_wait3A_18, %dma_wait3A_19] : memref<32x64x128xi32, #tpu.memory_space<hbm>> -> memref<1x64x128xi32, #tpu.memory_space<hbm>>
      %dma_wait3A_21 = tpu.memref_squeeze %dma_wait3A_20 : memref<1x64x128xi32, #tpu.memory_space<hbm>> -> memref<64x128xi32, #tpu.memory_space<hbm>>
      tpu.wait_dma2 semaphore(%run_scoped3A : memref<!tpu.dma_semaphore, #tpu.memory_space<semaphore_mem>>) src(%dma_wait3A_21 : memref<64x128xi32, #tpu.memory_space<hbm>>) dst(%arg9 : memref<64x128xi32, #tpu.memory_space<vmem>>)
      tpu.yield
    }) : () -> ()
    %scan3A = arith.constant 0 : i32
    %scan3A_3 = arith.constant 0 : i32
    %scan3A_4 = arith.constant 64 : i32
    %scan3A_5 = arith.addi %scan3A_3, %scan3A_4 : i32
    %scan3A_6 = arith.constant 1 : i32
    scf.for %scan3A_8 = %scan3A_3 to %scan3A_5 step %scan3A_6  : i32 {
      %mul3A_9 = arith.constant 128 : i32
      %mul3A_10 = arith.muli %scan3A_8, %mul3A_9 : i32
      %add3A_11 = arith.addi %mul3A_2, %mul3A_10 : i32
      "tpu.region"() ({
        %run_scoped3A = tpu.sem_alloc : memref<!tpu.dma_semaphore, #tpu.memory_space<semaphore_mem>>
        %dma_start3A_35 = arith.constant 0 : i32
        %dma_start3A_36 = tpu.memref_slice %arg4[%add3A_11, %dma_start3A_35] : memref<262144x128xf32, #tpu.memory_space<hbm>> -> memref<128x128xf32, #tpu.memory_space<hbm>>
        %dma_start3A_37 = arith.constant 0 : i32
        %dma_start3A_38 = tpu.memref_slice %arg4[%add3A_11, %dma_start3A_37] : memref<262144x128xf32, #tpu.memory_space<hbm>> -> memref<128x128xf32, #tpu.memory_space<hbm>>
        tpu.enqueue_dma source(%dma_start3A_38 : memref<128x128xf32, #tpu.memory_space<hbm>>) target(%arg10 : memref<128x128xf32, #tpu.memory_space<vmem>>) target_semaphore(%run_scoped3A : memref<!tpu.dma_semaphore, #tpu.memory_space<semaphore_mem>>)
        %dma_wait3A_39 = arith.constant 0 : i32
        %dma_wait3A_40 = tpu.memref_slice %arg4[%add3A_11, %dma_wait3A_39] : memref<262144x128xf32, #tpu.memory_space<hbm>> -> memref<128x128xf32, #tpu.memory_space<hbm>>
        %dma_wait3A_41 = arith.constant 0 : i32
        %dma_wait3A_42 = tpu.memref_slice %arg4[%add3A_11, %dma_wait3A_41] : memref<262144x128xf32, #tpu.memory_space<hbm>> -> memref<128x128xf32, #tpu.memory_space<hbm>>
        tpu.wait_dma2 semaphore(%run_scoped3A : memref<!tpu.dma_semaphore, #tpu.memory_space<semaphore_mem>>) src(%dma_wait3A_42 : memref<128x128xf32, #tpu.memory_space<hbm>>) dst(%arg10 : memref<128x128xf32, #tpu.memory_space<vmem>>)
        tpu.yield
      }) : () -> ()
      %add3A_12 = arith.addi %mul3A_2, %mul3A_10 : i32
      "tpu.region"() ({
        %run_scoped3A = tpu.sem_alloc : memref<!tpu.dma_semaphore, #tpu.memory_space<semaphore_mem>>
        %dma_start3A_35 = arith.constant 0 : i32
        %dma_start3A_36 = tpu.memref_slice %arg5[%add3A_12, %dma_start3A_35] : memref<262144x16xf32, #tpu.memory_space<hbm>> -> memref<128x16xf32, #tpu.memory_space<hbm>>
        %dma_start3A_37 = arith.constant 0 : i32
        %dma_start3A_38 = tpu.memref_slice %arg5[%add3A_12, %dma_start3A_37] : memref<262144x16xf32, #tpu.memory_space<hbm>> -> memref<128x16xf32, #tpu.memory_space<hbm>>
        tpu.enqueue_dma source(%dma_start3A_38 : memref<128x16xf32, #tpu.memory_space<hbm>>) target(%arg11 : memref<128x16xf32, #tpu.memory_space<vmem>>) target_semaphore(%run_scoped3A : memref<!tpu.dma_semaphore, #tpu.memory_space<semaphore_mem>>)
        %dma_wait3A_39 = arith.constant 0 : i32
        %dma_wait3A_40 = tpu.memref_slice %arg5[%add3A_12, %dma_wait3A_39] : memref<262144x16xf32, #tpu.memory_space<hbm>> -> memref<128x16xf32, #tpu.memory_space<hbm>>
        %dma_wait3A_41 = arith.constant 0 : i32
        %dma_wait3A_42 = tpu.memref_slice %arg5[%add3A_12, %dma_wait3A_41] : memref<262144x16xf32, #tpu.memory_space<hbm>> -> memref<128x16xf32, #tpu.memory_space<hbm>>
        tpu.wait_dma2 semaphore(%run_scoped3A : memref<!tpu.dma_semaphore, #tpu.memory_space<semaphore_mem>>) src(%dma_wait3A_42 : memref<128x16xf32, #tpu.memory_space<hbm>>) dst(%arg11 : memref<128x16xf32, #tpu.memory_space<vmem>>)
        tpu.yield
      }) : () -> ()
      %dma_start3A = arith.constant 0 : i32
      %dma_start3A_13 = tpu.memref_slice %arg8[%scan3A_8, %dma_start3A] : memref<64x128xi32, #tpu.memory_space<vmem>> -> memref<1x128xi32, #tpu.memory_space<vmem>>
      %dma_start3A_14 = tpu.memref_squeeze %dma_start3A_13 : memref<1x128xi32, #tpu.memory_space<vmem>> -> memref<128xi32, #tpu.memory_space<vmem>>
      %dma_start3A_15 = arith.constant 0 : i32
      %dma_start3A_16 = arith.constant 0 : i32
      %dma_start3A_17 = tpu.memref_slice %arg6[%dma_start3A_15, %dma_start3A_16] : memref<262144x128xf32, #tpu.memory_space<hbm>> -> memref<262144x128xf32, #tpu.memory_space<hbm>>
      tpu.enqueue_indirect_dma source(%arg10 : memref<128x128xf32, #tpu.memory_space<vmem>>) target(%dma_start3A_17 : memref<262144x128xf32, #tpu.memory_space<hbm>>) offsets(%dma_start3A_14 : memref<128xi32, #tpu.memory_space<vmem>>) semaphore(%arg12 : memref<!tpu.dma_semaphore, #tpu.memory_space<semaphore_mem>>)
      %dma_start3A_18 = arith.constant 0 : i32
      %dma_start3A_19 = tpu.memref_slice %arg9[%scan3A_8, %dma_start3A_18] : memref<64x128xi32, #tpu.memory_space<vmem>> -> memref<1x128xi32, #tpu.memory_space<vmem>>
      %dma_start3A_20 = tpu.memref_squeeze %dma_start3A_19 : memref<1x128xi32, #tpu.memory_space<vmem>> -> memref<128xi32, #tpu.memory_space<vmem>>
      %dma_start3A_21 = arith.constant 0 : i32
      %dma_start3A_22 = arith.constant 0 : i32
      %dma_start3A_23 = tpu.memref_slice %arg7[%dma_start3A_21, %dma_start3A_22] : memref<262144x16xf32, #tpu.memory_space<hbm>> -> memref<262144x16xf32, #tpu.memory_space<hbm>>
      tpu.enqueue_indirect_dma source(%arg11 : memref<128x16xf32, #tpu.memory_space<vmem>>) target(%dma_start3A_23 : memref<262144x16xf32, #tpu.memory_space<hbm>>) offsets(%dma_start3A_20 : memref<128xi32, #tpu.memory_space<vmem>>) semaphore(%arg13 : memref<!tpu.dma_semaphore, #tpu.memory_space<semaphore_mem>>)
      %dma_wait3A = arith.constant 0 : i32
      %dma_wait3A_24 = tpu.memref_slice %arg8[%scan3A_8, %dma_wait3A] : memref<64x128xi32, #tpu.memory_space<vmem>> -> memref<1x128xi32, #tpu.memory_space<vmem>>
      %dma_wait3A_25 = tpu.memref_squeeze %dma_wait3A_24 : memref<1x128xi32, #tpu.memory_space<vmem>> -> memref<128xi32, #tpu.memory_space<vmem>>
      %dma_wait3A_26 = arith.constant 0 : i32
      %dma_wait3A_27 = arith.constant 0 : i32
      %dma_wait3A_28 = tpu.memref_slice %arg6[%dma_wait3A_26, %dma_wait3A_27] : memref<262144x128xf32, #tpu.memory_space<hbm>> -> memref<262144x128xf32, #tpu.memory_space<hbm>>
      tpu.wait_indirect_dma semaphore(%arg12 : memref<!tpu.dma_semaphore, #tpu.memory_space<semaphore_mem>>) src(%arg10 : memref<128x128xf32, #tpu.memory_space<vmem>>) dst(%dma_wait3A_28 : memref<262144x128xf32, #tpu.memory_space<hbm>>)
      %dma_wait3A_29 = arith.constant 0 : i32
      %dma_wait3A_30 = tpu.memref_slice %arg9[%scan3A_8, %dma_wait3A_29] : memref<64x128xi32, #tpu.memory_space<vmem>> -> memref<1x128xi32, #tpu.memory_space<vmem>>
      %dma_wait3A_31 = tpu.memref_squeeze %dma_wait3A_30 : memref<1x128xi32, #tpu.memory_space<vmem>> -> memref<128xi32, #tpu.memory_space<vmem>>
      %dma_wait3A_32 = arith.constant 0 : i32
      %dma_wait3A_33 = arith.constant 0 : i32
      %dma_wait3A_34 = tpu.memref_slice %arg7[%dma_wait3A_32, %dma_wait3A_33] : memref<262144x16xf32, #tpu.memory_space<hbm>> -> memref<262144x16xf32, #tpu.memory_space<hbm>>
      tpu.wait_indirect_dma semaphore(%arg13 : memref<!tpu.dma_semaphore, #tpu.memory_space<semaphore_mem>>) src(%arg11 : memref<128x16xf32, #tpu.memory_space<vmem>>) dst(%dma_wait3A_34 : memref<262144x16xf32, #tpu.memory_space<hbm>>)
    }
    %scan3A_7 = arith.constant 64 : i32
    return
  }
}

module attributes {stable_mosaic.version = 14 : i64} {
  func.func @_hash_body(%arg0: i32, %arg1: memref<1x128x2048xf32, #tpu.memory_space<vmem>>, %arg2: memref<128x128xf32, #tpu.memory_space<vmem>>, %arg3: memref<1x8x2048xi32, #tpu.memory_space<vmem>>) attributes {dimension_semantics = [#tpu.dimension_semantics<arbitrary>], iteration_bounds = array<i64: 16>, scalar_prefetch = 0 : i64, scratch_operands = 0 : i64, tpu.core_type = #tpu.core_type<tc>, window_params = [{transform_indices = @transform_0, window_bounds = array<i64: 1, 128, 2048>}, {pipeline_mode = #tpu.pipeline_mode<synchronous>, transform_indices = @transform_1, window_bounds = array<i64: 128, 128>}, {transform_indices = @transform_2, window_bounds = array<i64: 1, 8, 2048>}]} {
    %get3A = arith.constant 0 : index
    %get3A_0 = arith.constant 0 : index
    %get3A_1 = arith.constant 0 : index
    %get3A_2 = vector.load %arg1[%get3A, %get3A_0, %get3A_1] : memref<1x128x2048xf32, #tpu.memory_space<vmem>>, vector<1x128x2048xf32>
    %get3A_3 = vector.shape_cast %get3A_2 : vector<1x128x2048xf32> to vector<128x2048xf32>
    %get3A_4 = arith.constant 0 : index
    %get3A_5 = arith.constant 0 : index
    %get3A_6 = vector.load %arg2[%get3A_4, %get3A_5] : memref<128x128xf32, #tpu.memory_space<vmem>>, vector<128x128xf32>
    %dot_general3A = arith.constant dense<0.000000e+00> : vector<128x2048xf32>
    %dot_general3A_7 = tpu.matmul %get3A_6, %get3A_3, %dot_general3A {dimension_numbers = #tpu.dot_dimension_numbers<[1], [0], [0], [1], [0, 0, 1, 1], [], []>, transpose_lhs_hint = false} : vector<128x128xf32>, vector<128x2048xf32>, vector<128x2048xf32> -> vector<128x2048xf32>
    %slice3A = vector.extract_strided_slice %dot_general3A_7 {offsets = [0, 0], sizes = [16, 2048], strides = [1, 1]} : vector<128x2048xf32> to vector<16x2048xf32>
    %neg3A = arith.constant 0.000000e+00 : f32
    %neg3A_8 = vector.broadcast %neg3A : f32 to vector<16x2048xf32>
    %neg3A_9 = arith.subf %neg3A_8, %slice3A : vector<16x2048xf32>
    %max3A = arith.maximumf %slice3A, %neg3A_9 : vector<16x2048xf32>
    %slice3A_10 = vector.extract_strided_slice %max3A {offsets = [0, 0], sizes = [8, 2048], strides = [1, 1]} : vector<16x2048xf32> to vector<8x2048xf32>
    %slice3A_11 = vector.extract_strided_slice %max3A {offsets = [8, 0], sizes = [8, 2048], strides = [1, 1]} : vector<16x2048xf32> to vector<8x2048xf32>
    %max3A_12 = arith.maximumf %slice3A_10, %slice3A_11 : vector<8x2048xf32>
    %reduce_max3A = arith.constant dense<0xFF800000> : vector<2048xf32>
    %reduce_max3A_13 = vector.multi_reduction <maximumf>, %max3A_12, %reduce_max3A [0] : vector<8x2048xf32> to vector<2048xf32>
    %broadcast_in_dim3A = vector.shape_cast %reduce_max3A_13 : vector<2048xf32> to vector<1x2048xf32>
    %iota3A = tpu.iota {dimensions = array<i32: 0>} : vector<16x2048xi32>
    %ge3A = vector.broadcast %broadcast_in_dim3A : vector<1x2048xf32> to vector<16x2048xf32>
    %ge3A_14 = arith.cmpf oge, %slice3A, %ge3A : vector<16x2048xf32>
    %jit3A = arith.constant 32 : i32
    %broadcast_in_dim3A_15 = vector.broadcast %jit3A : i32 to vector<16x2048xi32>
    %select_n3A = arith.select %ge3A_14, %iota3A, %broadcast_in_dim3A_15 : vector<16x2048xi1>, vector<16x2048xi32>
    %neg3A_16 = arith.constant 0.000000e+00 : f32
    %neg3A_17 = vector.broadcast %neg3A_16 : f32 to vector<16x2048xf32>
    %neg3A_18 = arith.subf %neg3A_17, %slice3A : vector<16x2048xf32>
    %ge3A_19 = vector.broadcast %broadcast_in_dim3A : vector<1x2048xf32> to vector<16x2048xf32>
    %ge3A_20 = arith.cmpf oge, %neg3A_18, %ge3A_19 : vector<16x2048xf32>
    %add3A = arith.constant 16 : i32
    %add3A_21 = vector.broadcast %add3A : i32 to vector<16x2048xi32>
    %add3A_22 = arith.addi %iota3A, %add3A_21 : vector<16x2048xi32>
    %jit3A_23 = arith.constant 32 : i32
    %broadcast_in_dim3A_24 = vector.broadcast %jit3A_23 : i32 to vector<16x2048xi32>
    %select_n3A_25 = arith.select %ge3A_20, %add3A_22, %broadcast_in_dim3A_24 : vector<16x2048xi1>, vector<16x2048xi32>
    %min3A = arith.minsi %select_n3A, %select_n3A_25 : vector<16x2048xi32>
    %slice3A_26 = vector.extract_strided_slice %min3A {offsets = [0, 0], sizes = [8, 2048], strides = [1, 1]} : vector<16x2048xi32> to vector<8x2048xi32>
    %slice3A_27 = vector.extract_strided_slice %min3A {offsets = [8, 0], sizes = [8, 2048], strides = [1, 1]} : vector<16x2048xi32> to vector<8x2048xi32>
    %min3A_28 = arith.minsi %slice3A_26, %slice3A_27 : vector<8x2048xi32>
    %reduce_min3A = arith.constant dense<2147483647> : vector<2048xi32>
    %reduce_min3A_29 = vector.multi_reduction <minsi>, %min3A_28, %reduce_min3A [0] : vector<8x2048xi32> to vector<2048xi32>
    %broadcast_in_dim3A_30 = vector.shape_cast %reduce_min3A_29 : vector<2048xi32> to vector<1x2048xi32>
    %add3A_31 = arith.constant 0 : i32
    %add3A_32 = vector.broadcast %add3A_31 : i32 to vector<1x2048xi32>
    %add3A_33 = arith.addi %broadcast_in_dim3A_30, %add3A_32 : vector<1x2048xi32>
    %slice3A_34 = vector.extract_strided_slice %dot_general3A_7 {offsets = [16, 0], sizes = [16, 2048], strides = [1, 1]} : vector<128x2048xf32> to vector<16x2048xf32>
    %neg3A_35 = arith.constant 0.000000e+00 : f32
    %neg3A_36 = vector.broadcast %neg3A_35 : f32 to vector<16x2048xf32>
    %neg3A_37 = arith.subf %neg3A_36, %slice3A_34 : vector<16x2048xf32>
    %max3A_38 = arith.maximumf %slice3A_34, %neg3A_37 : vector<16x2048xf32>
    %slice3A_39 = vector.extract_strided_slice %max3A_38 {offsets = [0, 0], sizes = [8, 2048], strides = [1, 1]} : vector<16x2048xf32> to vector<8x2048xf32>
    %slice3A_40 = vector.extract_strided_slice %max3A_38 {offsets = [8, 0], sizes = [8, 2048], strides = [1, 1]} : vector<16x2048xf32> to vector<8x2048xf32>
    %max3A_41 = arith.maximumf %slice3A_39, %slice3A_40 : vector<8x2048xf32>
    %reduce_max3A_42 = arith.constant dense<0xFF800000> : vector<2048xf32>
    %reduce_max3A_43 = vector.multi_reduction <maximumf>, %max3A_41, %reduce_max3A_42 [0] : vector<8x2048xf32> to vector<2048xf32>
    %broadcast_in_dim3A_44 = vector.shape_cast %reduce_max3A_43 : vector<2048xf32> to vector<1x2048xf32>
    %iota3A_45 = tpu.iota {dimensions = array<i32: 0>} : vector<16x2048xi32>
    %ge3A_46 = vector.broadcast %broadcast_in_dim3A_44 : vector<1x2048xf32> to vector<16x2048xf32>
    %ge3A_47 = arith.cmpf oge, %slice3A_34, %ge3A_46 : vector<16x2048xf32>
    %jit3A_48 = arith.constant 32 : i32
    %broadcast_in_dim3A_49 = vector.broadcast %jit3A_48 : i32 to vector<16x2048xi32>
    %select_n3A_50 = arith.select %ge3A_47, %iota3A_45, %broadcast_in_dim3A_49 : vector<16x2048xi1>, vector<16x2048xi32>
    %neg3A_51 = arith.constant 0.000000e+00 : f32
    %neg3A_52 = vector.broadcast %neg3A_51 : f32 to vector<16x2048xf32>
    %neg3A_53 = arith.subf %neg3A_52, %slice3A_34 : vector<16x2048xf32>
    %ge3A_54 = vector.broadcast %broadcast_in_dim3A_44 : vector<1x2048xf32> to vector<16x2048xf32>
    %ge3A_55 = arith.cmpf oge, %neg3A_53, %ge3A_54 : vector<16x2048xf32>
    %add3A_56 = arith.constant 16 : i32
    %add3A_57 = vector.broadcast %add3A_56 : i32 to vector<16x2048xi32>
    %add3A_58 = arith.addi %iota3A_45, %add3A_57 : vector<16x2048xi32>
    %jit3A_59 = arith.constant 32 : i32
    %broadcast_in_dim3A_60 = vector.broadcast %jit3A_59 : i32 to vector<16x2048xi32>
    %select_n3A_61 = arith.select %ge3A_55, %add3A_58, %broadcast_in_dim3A_60 : vector<16x2048xi1>, vector<16x2048xi32>
    %min3A_62 = arith.minsi %select_n3A_50, %select_n3A_61 : vector<16x2048xi32>
    %slice3A_63 = vector.extract_strided_slice %min3A_62 {offsets = [0, 0], sizes = [8, 2048], strides = [1, 1]} : vector<16x2048xi32> to vector<8x2048xi32>
    %slice3A_64 = vector.extract_strided_slice %min3A_62 {offsets = [8, 0], sizes = [8, 2048], strides = [1, 1]} : vector<16x2048xi32> to vector<8x2048xi32>
    %min3A_65 = arith.minsi %slice3A_63, %slice3A_64 : vector<8x2048xi32>
    %reduce_min3A_66 = arith.constant dense<2147483647> : vector<2048xi32>
    %reduce_min3A_67 = vector.multi_reduction <minsi>, %min3A_65, %reduce_min3A_66 [0] : vector<8x2048xi32> to vector<2048xi32>
    %broadcast_in_dim3A_68 = vector.shape_cast %reduce_min3A_67 : vector<2048xi32> to vector<1x2048xi32>
    %add3A_69 = arith.constant 32 : i32
    %add3A_70 = vector.broadcast %add3A_69 : i32 to vector<1x2048xi32>
    %add3A_71 = arith.addi %broadcast_in_dim3A_68, %add3A_70 : vector<1x2048xi32>
    %slice3A_72 = vector.extract_strided_slice %dot_general3A_7 {offsets = [32, 0], sizes = [16, 2048], strides = [1, 1]} : vector<128x2048xf32> to vector<16x2048xf32>
    %neg3A_73 = arith.constant 0.000000e+00 : f32
    %neg3A_74 = vector.broadcast %neg3A_73 : f32 to vector<16x2048xf32>
    %neg3A_75 = arith.subf %neg3A_74, %slice3A_72 : vector<16x2048xf32>
    %max3A_76 = arith.maximumf %slice3A_72, %neg3A_75 : vector<16x2048xf32>
    %slice3A_77 = vector.extract_strided_slice %max3A_76 {offsets = [0, 0], sizes = [8, 2048], strides = [1, 1]} : vector<16x2048xf32> to vector<8x2048xf32>
    %slice3A_78 = vector.extract_strided_slice %max3A_76 {offsets = [8, 0], sizes = [8, 2048], strides = [1, 1]} : vector<16x2048xf32> to vector<8x2048xf32>
    %max3A_79 = arith.maximumf %slice3A_77, %slice3A_78 : vector<8x2048xf32>
    %reduce_max3A_80 = arith.constant dense<0xFF800000> : vector<2048xf32>
    %reduce_max3A_81 = vector.multi_reduction <maximumf>, %max3A_79, %reduce_max3A_80 [0] : vector<8x2048xf32> to vector<2048xf32>
    %broadcast_in_dim3A_82 = vector.shape_cast %reduce_max3A_81 : vector<2048xf32> to vector<1x2048xf32>
    %iota3A_83 = tpu.iota {dimensions = array<i32: 0>} : vector<16x2048xi32>
    %ge3A_84 = vector.broadcast %broadcast_in_dim3A_82 : vector<1x2048xf32> to vector<16x2048xf32>
    %ge3A_85 = arith.cmpf oge, %slice3A_72, %ge3A_84 : vector<16x2048xf32>
    %jit3A_86 = arith.constant 32 : i32
    %broadcast_in_dim3A_87 = vector.broadcast %jit3A_86 : i32 to vector<16x2048xi32>
    %select_n3A_88 = arith.select %ge3A_85, %iota3A_83, %broadcast_in_dim3A_87 : vector<16x2048xi1>, vector<16x2048xi32>
    %neg3A_89 = arith.constant 0.000000e+00 : f32
    %neg3A_90 = vector.broadcast %neg3A_89 : f32 to vector<16x2048xf32>
    %neg3A_91 = arith.subf %neg3A_90, %slice3A_72 : vector<16x2048xf32>
    %ge3A_92 = vector.broadcast %broadcast_in_dim3A_82 : vector<1x2048xf32> to vector<16x2048xf32>
    %ge3A_93 = arith.cmpf oge, %neg3A_91, %ge3A_92 : vector<16x2048xf32>
    %add3A_94 = arith.constant 16 : i32
    %add3A_95 = vector.broadcast %add3A_94 : i32 to vector<16x2048xi32>
    %add3A_96 = arith.addi %iota3A_83, %add3A_95 : vector<16x2048xi32>
    %jit3A_97 = arith.constant 32 : i32
    %broadcast_in_dim3A_98 = vector.broadcast %jit3A_97 : i32 to vector<16x2048xi32>
    %select_n3A_99 = arith.select %ge3A_93, %add3A_96, %broadcast_in_dim3A_98 : vector<16x2048xi1>, vector<16x2048xi32>
    %min3A_100 = arith.minsi %select_n3A_88, %select_n3A_99 : vector<16x2048xi32>
    %slice3A_101 = vector.extract_strided_slice %min3A_100 {offsets = [0, 0], sizes = [8, 2048], strides = [1, 1]} : vector<16x2048xi32> to vector<8x2048xi32>
    %slice3A_102 = vector.extract_strided_slice %min3A_100 {offsets = [8, 0], sizes = [8, 2048], strides = [1, 1]} : vector<16x2048xi32> to vector<8x2048xi32>
    %min3A_103 = arith.minsi %slice3A_101, %slice3A_102 : vector<8x2048xi32>
    %reduce_min3A_104 = arith.constant dense<2147483647> : vector<2048xi32>
    %reduce_min3A_105 = vector.multi_reduction <minsi>, %min3A_103, %reduce_min3A_104 [0] : vector<8x2048xi32> to vector<2048xi32>
    %broadcast_in_dim3A_106 = vector.shape_cast %reduce_min3A_105 : vector<2048xi32> to vector<1x2048xi32>
    %add3A_107 = arith.constant 64 : i32
    %add3A_108 = vector.broadcast %add3A_107 : i32 to vector<1x2048xi32>
    %add3A_109 = arith.addi %broadcast_in_dim3A_106, %add3A_108 : vector<1x2048xi32>
    %slice3A_110 = vector.extract_strided_slice %dot_general3A_7 {offsets = [48, 0], sizes = [16, 2048], strides = [1, 1]} : vector<128x2048xf32> to vector<16x2048xf32>
    %neg3A_111 = arith.constant 0.000000e+00 : f32
    %neg3A_112 = vector.broadcast %neg3A_111 : f32 to vector<16x2048xf32>
    %neg3A_113 = arith.subf %neg3A_112, %slice3A_110 : vector<16x2048xf32>
    %max3A_114 = arith.maximumf %slice3A_110, %neg3A_113 : vector<16x2048xf32>
    %slice3A_115 = vector.extract_strided_slice %max3A_114 {offsets = [0, 0], sizes = [8, 2048], strides = [1, 1]} : vector<16x2048xf32> to vector<8x2048xf32>
    %slice3A_116 = vector.extract_strided_slice %max3A_114 {offsets = [8, 0], sizes = [8, 2048], strides = [1, 1]} : vector<16x2048xf32> to vector<8x2048xf32>
    %max3A_117 = arith.maximumf %slice3A_115, %slice3A_116 : vector<8x2048xf32>
    %reduce_max3A_118 = arith.constant dense<0xFF800000> : vector<2048xf32>
    %reduce_max3A_119 = vector.multi_reduction <maximumf>, %max3A_117, %reduce_max3A_118 [0] : vector<8x2048xf32> to vector<2048xf32>
    %broadcast_in_dim3A_120 = vector.shape_cast %reduce_max3A_119 : vector<2048xf32> to vector<1x2048xf32>
    %iota3A_121 = tpu.iota {dimensions = array<i32: 0>} : vector<16x2048xi32>
    %ge3A_122 = vector.broadcast %broadcast_in_dim3A_120 : vector<1x2048xf32> to vector<16x2048xf32>
    %ge3A_123 = arith.cmpf oge, %slice3A_110, %ge3A_122 : vector<16x2048xf32>
    %jit3A_124 = arith.constant 32 : i32
    %broadcast_in_dim3A_125 = vector.broadcast %jit3A_124 : i32 to vector<16x2048xi32>
    %select_n3A_126 = arith.select %ge3A_123, %iota3A_121, %broadcast_in_dim3A_125 : vector<16x2048xi1>, vector<16x2048xi32>
    %neg3A_127 = arith.constant 0.000000e+00 : f32
    %neg3A_128 = vector.broadcast %neg3A_127 : f32 to vector<16x2048xf32>
    %neg3A_129 = arith.subf %neg3A_128, %slice3A_110 : vector<16x2048xf32>
    %ge3A_130 = vector.broadcast %broadcast_in_dim3A_120 : vector<1x2048xf32> to vector<16x2048xf32>
    %ge3A_131 = arith.cmpf oge, %neg3A_129, %ge3A_130 : vector<16x2048xf32>
    %add3A_132 = arith.constant 16 : i32
    %add3A_133 = vector.broadcast %add3A_132 : i32 to vector<16x2048xi32>
    %add3A_134 = arith.addi %iota3A_121, %add3A_133 : vector<16x2048xi32>
    %jit3A_135 = arith.constant 32 : i32
    %broadcast_in_dim3A_136 = vector.broadcast %jit3A_135 : i32 to vector<16x2048xi32>
    %select_n3A_137 = arith.select %ge3A_131, %add3A_134, %broadcast_in_dim3A_136 : vector<16x2048xi1>, vector<16x2048xi32>
    %min3A_138 = arith.minsi %select_n3A_126, %select_n3A_137 : vector<16x2048xi32>
    %slice3A_139 = vector.extract_strided_slice %min3A_138 {offsets = [0, 0], sizes = [8, 2048], strides = [1, 1]} : vector<16x2048xi32> to vector<8x2048xi32>
    %slice3A_140 = vector.extract_strided_slice %min3A_138 {offsets = [8, 0], sizes = [8, 2048], strides = [1, 1]} : vector<16x2048xi32> to vector<8x2048xi32>
    %min3A_141 = arith.minsi %slice3A_139, %slice3A_140 : vector<8x2048xi32>
    %reduce_min3A_142 = arith.constant dense<2147483647> : vector<2048xi32>
    %reduce_min3A_143 = vector.multi_reduction <minsi>, %min3A_141, %reduce_min3A_142 [0] : vector<8x2048xi32> to vector<2048xi32>
    %broadcast_in_dim3A_144 = vector.shape_cast %reduce_min3A_143 : vector<2048xi32> to vector<1x2048xi32>
    %add3A_145 = arith.constant 96 : i32
    %add3A_146 = vector.broadcast %add3A_145 : i32 to vector<1x2048xi32>
    %add3A_147 = arith.addi %broadcast_in_dim3A_144, %add3A_146 : vector<1x2048xi32>
    %slice3A_148 = vector.extract_strided_slice %dot_general3A_7 {offsets = [64, 0], sizes = [16, 2048], strides = [1, 1]} : vector<128x2048xf32> to vector<16x2048xf32>
    %neg3A_149 = arith.constant 0.000000e+00 : f32
    %neg3A_150 = vector.broadcast %neg3A_149 : f32 to vector<16x2048xf32>
    %neg3A_151 = arith.subf %neg3A_150, %slice3A_148 : vector<16x2048xf32>
    %max3A_152 = arith.maximumf %slice3A_148, %neg3A_151 : vector<16x2048xf32>
    %slice3A_153 = vector.extract_strided_slice %max3A_152 {offsets = [0, 0], sizes = [8, 2048], strides = [1, 1]} : vector<16x2048xf32> to vector<8x2048xf32>
    %slice3A_154 = vector.extract_strided_slice %max3A_152 {offsets = [8, 0], sizes = [8, 2048], strides = [1, 1]} : vector<16x2048xf32> to vector<8x2048xf32>
    %max3A_155 = arith.maximumf %slice3A_153, %slice3A_154 : vector<8x2048xf32>
    %reduce_max3A_156 = arith.constant dense<0xFF800000> : vector<2048xf32>
    %reduce_max3A_157 = vector.multi_reduction <maximumf>, %max3A_155, %reduce_max3A_156 [0] : vector<8x2048xf32> to vector<2048xf32>
    %broadcast_in_dim3A_158 = vector.shape_cast %reduce_max3A_157 : vector<2048xf32> to vector<1x2048xf32>
    %iota3A_159 = tpu.iota {dimensions = array<i32: 0>} : vector<16x2048xi32>
    %ge3A_160 = vector.broadcast %broadcast_in_dim3A_158 : vector<1x2048xf32> to vector<16x2048xf32>
    %ge3A_161 = arith.cmpf oge, %slice3A_148, %ge3A_160 : vector<16x2048xf32>
    %jit3A_162 = arith.constant 32 : i32
    %broadcast_in_dim3A_163 = vector.broadcast %jit3A_162 : i32 to vector<16x2048xi32>
    %select_n3A_164 = arith.select %ge3A_161, %iota3A_159, %broadcast_in_dim3A_163 : vector<16x2048xi1>, vector<16x2048xi32>
    %neg3A_165 = arith.constant 0.000000e+00 : f32
    %neg3A_166 = vector.broadcast %neg3A_165 : f32 to vector<16x2048xf32>
    %neg3A_167 = arith.subf %neg3A_166, %slice3A_148 : vector<16x2048xf32>
    %ge3A_168 = vector.broadcast %broadcast_in_dim3A_158 : vector<1x2048xf32> to vector<16x2048xf32>
    %ge3A_169 = arith.cmpf oge, %neg3A_167, %ge3A_168 : vector<16x2048xf32>
    %add3A_170 = arith.constant 16 : i32
    %add3A_171 = vector.broadcast %add3A_170 : i32 to vector<16x2048xi32>
    %add3A_172 = arith.addi %iota3A_159, %add3A_171 : vector<16x2048xi32>
    %jit3A_173 = arith.constant 32 : i32
    %broadcast_in_dim3A_174 = vector.broadcast %jit3A_173 : i32 to vector<16x2048xi32>
    %select_n3A_175 = arith.select %ge3A_169, %add3A_172, %broadcast_in_dim3A_174 : vector<16x2048xi1>, vector<16x2048xi32>
    %min3A_176 = arith.minsi %select_n3A_164, %select_n3A_175 : vector<16x2048xi32>
    %slice3A_177 = vector.extract_strided_slice %min3A_176 {offsets = [0, 0], sizes = [8, 2048], strides = [1, 1]} : vector<16x2048xi32> to vector<8x2048xi32>
    %slice3A_178 = vector.extract_strided_slice %min3A_176 {offsets = [8, 0], sizes = [8, 2048], strides = [1, 1]} : vector<16x2048xi32> to vector<8x2048xi32>
    %min3A_179 = arith.minsi %slice3A_177, %slice3A_178 : vector<8x2048xi32>
    %reduce_min3A_180 = arith.constant dense<2147483647> : vector<2048xi32>
    %reduce_min3A_181 = vector.multi_reduction <minsi>, %min3A_179, %reduce_min3A_180 [0] : vector<8x2048xi32> to vector<2048xi32>
    %broadcast_in_dim3A_182 = vector.shape_cast %reduce_min3A_181 : vector<2048xi32> to vector<1x2048xi32>
    %add3A_183 = arith.constant 128 : i32
    %add3A_184 = vector.broadcast %add3A_183 : i32 to vector<1x2048xi32>
    %add3A_185 = arith.addi %broadcast_in_dim3A_182, %add3A_184 : vector<1x2048xi32>
    %slice3A_186 = vector.extract_strided_slice %dot_general3A_7 {offsets = [80, 0], sizes = [16, 2048], strides = [1, 1]} : vector<128x2048xf32> to vector<16x2048xf32>
    %neg3A_187 = arith.constant 0.000000e+00 : f32
    %neg3A_188 = vector.broadcast %neg3A_187 : f32 to vector<16x2048xf32>
    %neg3A_189 = arith.subf %neg3A_188, %slice3A_186 : vector<16x2048xf32>
    %max3A_190 = arith.maximumf %slice3A_186, %neg3A_189 : vector<16x2048xf32>
    %slice3A_191 = vector.extract_strided_slice %max3A_190 {offsets = [0, 0], sizes = [8, 2048], strides = [1, 1]} : vector<16x2048xf32> to vector<8x2048xf32>
    %slice3A_192 = vector.extract_strided_slice %max3A_190 {offsets = [8, 0], sizes = [8, 2048], strides = [1, 1]} : vector<16x2048xf32> to vector<8x2048xf32>
    %max3A_193 = arith.maximumf %slice3A_191, %slice3A_192 : vector<8x2048xf32>
    %reduce_max3A_194 = arith.constant dense<0xFF800000> : vector<2048xf32>
    %reduce_max3A_195 = vector.multi_reduction <maximumf>, %max3A_193, %reduce_max3A_194 [0] : vector<8x2048xf32> to vector<2048xf32>
    %broadcast_in_dim3A_196 = vector.shape_cast %reduce_max3A_195 : vector<2048xf32> to vector<1x2048xf32>
    %iota3A_197 = tpu.iota {dimensions = array<i32: 0>} : vector<16x2048xi32>
    %ge3A_198 = vector.broadcast %broadcast_in_dim3A_196 : vector<1x2048xf32> to vector<16x2048xf32>
    %ge3A_199 = arith.cmpf oge, %slice3A_186, %ge3A_198 : vector<16x2048xf32>
    %jit3A_200 = arith.constant 32 : i32
    %broadcast_in_dim3A_201 = vector.broadcast %jit3A_200 : i32 to vector<16x2048xi32>
    %select_n3A_202 = arith.select %ge3A_199, %iota3A_197, %broadcast_in_dim3A_201 : vector<16x2048xi1>, vector<16x2048xi32>
    %neg3A_203 = arith.constant 0.000000e+00 : f32
    %neg3A_204 = vector.broadcast %neg3A_203 : f32 to vector<16x2048xf32>
    %neg3A_205 = arith.subf %neg3A_204, %slice3A_186 : vector<16x2048xf32>
    %ge3A_206 = vector.broadcast %broadcast_in_dim3A_196 : vector<1x2048xf32> to vector<16x2048xf32>
    %ge3A_207 = arith.cmpf oge, %neg3A_205, %ge3A_206 : vector<16x2048xf32>
    %add3A_208 = arith.constant 16 : i32
    %add3A_209 = vector.broadcast %add3A_208 : i32 to vector<16x2048xi32>
    %add3A_210 = arith.addi %iota3A_197, %add3A_209 : vector<16x2048xi32>
    %jit3A_211 = arith.constant 32 : i32
    %broadcast_in_dim3A_212 = vector.broadcast %jit3A_211 : i32 to vector<16x2048xi32>
    %select_n3A_213 = arith.select %ge3A_207, %add3A_210, %broadcast_in_dim3A_212 : vector<16x2048xi1>, vector<16x2048xi32>
    %min3A_214 = arith.minsi %select_n3A_202, %select_n3A_213 : vector<16x2048xi32>
    %slice3A_215 = vector.extract_strided_slice %min3A_214 {offsets = [0, 0], sizes = [8, 2048], strides = [1, 1]} : vector<16x2048xi32> to vector<8x2048xi32>
    %slice3A_216 = vector.extract_strided_slice %min3A_214 {offsets = [8, 0], sizes = [8, 2048], strides = [1, 1]} : vector<16x2048xi32> to vector<8x2048xi32>
    %min3A_217 = arith.minsi %slice3A_215, %slice3A_216 : vector<8x2048xi32>
    %reduce_min3A_218 = arith.constant dense<2147483647> : vector<2048xi32>
    %reduce_min3A_219 = vector.multi_reduction <minsi>, %min3A_217, %reduce_min3A_218 [0] : vector<8x2048xi32> to vector<2048xi32>
    %broadcast_in_dim3A_220 = vector.shape_cast %reduce_min3A_219 : vector<2048xi32> to vector<1x2048xi32>
    %add3A_221 = arith.constant 160 : i32
    %add3A_222 = vector.broadcast %add3A_221 : i32 to vector<1x2048xi32>
    %add3A_223 = arith.addi %broadcast_in_dim3A_220, %add3A_222 : vector<1x2048xi32>
    %slice3A_224 = vector.extract_strided_slice %dot_general3A_7 {offsets = [96, 0], sizes = [16, 2048], strides = [1, 1]} : vector<128x2048xf32> to vector<16x2048xf32>
    %neg3A_225 = arith.constant 0.000000e+00 : f32
    %neg3A_226 = vector.broadcast %neg3A_225 : f32 to vector<16x2048xf32>
    %neg3A_227 = arith.subf %neg3A_226, %slice3A_224 : vector<16x2048xf32>
    %max3A_228 = arith.maximumf %slice3A_224, %neg3A_227 : vector<16x2048xf32>
    %slice3A_229 = vector.extract_strided_slice %max3A_228 {offsets = [0, 0], sizes = [8, 2048], strides = [1, 1]} : vector<16x2048xf32> to vector<8x2048xf32>
    %slice3A_230 = vector.extract_strided_slice %max3A_228 {offsets = [8, 0], sizes = [8, 2048], strides = [1, 1]} : vector<16x2048xf32> to vector<8x2048xf32>
    %max3A_231 = arith.maximumf %slice3A_229, %slice3A_230 : vector<8x2048xf32>
    %reduce_max3A_232 = arith.constant dense<0xFF800000> : vector<2048xf32>
    %reduce_max3A_233 = vector.multi_reduction <maximumf>, %max3A_231, %reduce_max3A_232 [0] : vector<8x2048xf32> to vector<2048xf32>
    %broadcast_in_dim3A_234 = vector.shape_cast %reduce_max3A_233 : vector<2048xf32> to vector<1x2048xf32>
    %iota3A_235 = tpu.iota {dimensions = array<i32: 0>} : vector<16x2048xi32>
    %ge3A_236 = vector.broadcast %broadcast_in_dim3A_234 : vector<1x2048xf32> to vector<16x2048xf32>
    %ge3A_237 = arith.cmpf oge, %slice3A_224, %ge3A_236 : vector<16x2048xf32>
    %jit3A_238 = arith.constant 32 : i32
    %broadcast_in_dim3A_239 = vector.broadcast %jit3A_238 : i32 to vector<16x2048xi32>
    %select_n3A_240 = arith.select %ge3A_237, %iota3A_235, %broadcast_in_dim3A_239 : vector<16x2048xi1>, vector<16x2048xi32>
    %neg3A_241 = arith.constant 0.000000e+00 : f32
    %neg3A_242 = vector.broadcast %neg3A_241 : f32 to vector<16x2048xf32>
    %neg3A_243 = arith.subf %neg3A_242, %slice3A_224 : vector<16x2048xf32>
    %ge3A_244 = vector.broadcast %broadcast_in_dim3A_234 : vector<1x2048xf32> to vector<16x2048xf32>
    %ge3A_245 = arith.cmpf oge, %neg3A_243, %ge3A_244 : vector<16x2048xf32>
    %add3A_246 = arith.constant 16 : i32
    %add3A_247 = vector.broadcast %add3A_246 : i32 to vector<16x2048xi32>
    %add3A_248 = arith.addi %iota3A_235, %add3A_247 : vector<16x2048xi32>
    %jit3A_249 = arith.constant 32 : i32
    %broadcast_in_dim3A_250 = vector.broadcast %jit3A_249 : i32 to vector<16x2048xi32>
    %select_n3A_251 = arith.select %ge3A_245, %add3A_248, %broadcast_in_dim3A_250 : vector<16x2048xi1>, vector<16x2048xi32>
    %min3A_252 = arith.minsi %select_n3A_240, %select_n3A_251 : vector<16x2048xi32>
    %slice3A_253 = vector.extract_strided_slice %min3A_252 {offsets = [0, 0], sizes = [8, 2048], strides = [1, 1]} : vector<16x2048xi32> to vector<8x2048xi32>
    %slice3A_254 = vector.extract_strided_slice %min3A_252 {offsets = [8, 0], sizes = [8, 2048], strides = [1, 1]} : vector<16x2048xi32> to vector<8x2048xi32>
    %min3A_255 = arith.minsi %slice3A_253, %slice3A_254 : vector<8x2048xi32>
    %reduce_min3A_256 = arith.constant dense<2147483647> : vector<2048xi32>
    %reduce_min3A_257 = vector.multi_reduction <minsi>, %min3A_255, %reduce_min3A_256 [0] : vector<8x2048xi32> to vector<2048xi32>
    %broadcast_in_dim3A_258 = vector.shape_cast %reduce_min3A_257 : vector<2048xi32> to vector<1x2048xi32>
    %add3A_259 = arith.constant 192 : i32
    %add3A_260 = vector.broadcast %add3A_259 : i32 to vector<1x2048xi32>
    %add3A_261 = arith.addi %broadcast_in_dim3A_258, %add3A_260 : vector<1x2048xi32>
    %slice3A_262 = vector.extract_strided_slice %dot_general3A_7 {offsets = [112, 0], sizes = [16, 2048], strides = [1, 1]} : vector<128x2048xf32> to vector<16x2048xf32>
    %neg3A_263 = arith.constant 0.000000e+00 : f32
    %neg3A_264 = vector.broadcast %neg3A_263 : f32 to vector<16x2048xf32>
    %neg3A_265 = arith.subf %neg3A_264, %slice3A_262 : vector<16x2048xf32>
    %max3A_266 = arith.maximumf %slice3A_262, %neg3A_265 : vector<16x2048xf32>
    %slice3A_267 = vector.extract_strided_slice %max3A_266 {offsets = [0, 0], sizes = [8, 2048], strides = [1, 1]} : vector<16x2048xf32> to vector<8x2048xf32>
    %slice3A_268 = vector.extract_strided_slice %max3A_266 {offsets = [8, 0], sizes = [8, 2048], strides = [1, 1]} : vector<16x2048xf32> to vector<8x2048xf32>
    %max3A_269 = arith.maximumf %slice3A_267, %slice3A_268 : vector<8x2048xf32>
    %reduce_max3A_270 = arith.constant dense<0xFF800000> : vector<2048xf32>
    %reduce_max3A_271 = vector.multi_reduction <maximumf>, %max3A_269, %reduce_max3A_270 [0] : vector<8x2048xf32> to vector<2048xf32>
    %broadcast_in_dim3A_272 = vector.shape_cast %reduce_max3A_271 : vector<2048xf32> to vector<1x2048xf32>
    %iota3A_273 = tpu.iota {dimensions = array<i32: 0>} : vector<16x2048xi32>
    %ge3A_274 = vector.broadcast %broadcast_in_dim3A_272 : vector<1x2048xf32> to vector<16x2048xf32>
    %ge3A_275 = arith.cmpf oge, %slice3A_262, %ge3A_274 : vector<16x2048xf32>
    %jit3A_276 = arith.constant 32 : i32
    %broadcast_in_dim3A_277 = vector.broadcast %jit3A_276 : i32 to vector<16x2048xi32>
    %select_n3A_278 = arith.select %ge3A_275, %iota3A_273, %broadcast_in_dim3A_277 : vector<16x2048xi1>, vector<16x2048xi32>
    %neg3A_279 = arith.constant 0.000000e+00 : f32
    %neg3A_280 = vector.broadcast %neg3A_279 : f32 to vector<16x2048xf32>
    %neg3A_281 = arith.subf %neg3A_280, %slice3A_262 : vector<16x2048xf32>
    %ge3A_282 = vector.broadcast %broadcast_in_dim3A_272 : vector<1x2048xf32> to vector<16x2048xf32>
    %ge3A_283 = arith.cmpf oge, %neg3A_281, %ge3A_282 : vector<16x2048xf32>
    %add3A_284 = arith.constant 16 : i32
    %add3A_285 = vector.broadcast %add3A_284 : i32 to vector<16x2048xi32>
    %add3A_286 = arith.addi %iota3A_273, %add3A_285 : vector<16x2048xi32>
    %jit3A_287 = arith.constant 32 : i32
    %broadcast_in_dim3A_288 = vector.broadcast %jit3A_287 : i32 to vector<16x2048xi32>
    %select_n3A_289 = arith.select %ge3A_283, %add3A_286, %broadcast_in_dim3A_288 : vector<16x2048xi1>, vector<16x2048xi32>
    %min3A_290 = arith.minsi %select_n3A_278, %select_n3A_289 : vector<16x2048xi32>
    %slice3A_291 = vector.extract_strided_slice %min3A_290 {offsets = [0, 0], sizes = [8, 2048], strides = [1, 1]} : vector<16x2048xi32> to vector<8x2048xi32>
    %slice3A_292 = vector.extract_strided_slice %min3A_290 {offsets = [8, 0], sizes = [8, 2048], strides = [1, 1]} : vector<16x2048xi32> to vector<8x2048xi32>
    %min3A_293 = arith.minsi %slice3A_291, %slice3A_292 : vector<8x2048xi32>
    %reduce_min3A_294 = arith.constant dense<2147483647> : vector<2048xi32>
    %reduce_min3A_295 = vector.multi_reduction <minsi>, %min3A_293, %reduce_min3A_294 [0] : vector<8x2048xi32> to vector<2048xi32>
    %broadcast_in_dim3A_296 = vector.shape_cast %reduce_min3A_295 : vector<2048xi32> to vector<1x2048xi32>
    %add3A_297 = arith.constant 224 : i32
    %add3A_298 = vector.broadcast %add3A_297 : i32 to vector<1x2048xi32>
    %add3A_299 = arith.addi %broadcast_in_dim3A_296, %add3A_298 : vector<1x2048xi32>
    %concatenate3A = tpu.concatenate %add3A_33, %add3A_71, %add3A_109, %add3A_147, %add3A_185, %add3A_223, %add3A_261, %add3A_299 in 0 : vector<1x2048xi32>, vector<1x2048xi32>, vector<1x2048xi32>, vector<1x2048xi32>, vector<1x2048xi32>, vector<1x2048xi32>, vector<1x2048xi32>, vector<1x2048xi32> -> vector<8x2048xi32>
    %mul3A = arith.constant 2048 : i32
    %mul3A_300 = vector.broadcast %mul3A : i32 to vector<8x2048xi32>
    %mul3A_301 = arith.muli %concatenate3A, %mul3A_300 : vector<8x2048xi32>
    %iota3A_302 = tpu.iota {dimensions = array<i32: 1>} : vector<8x2048xi32>
    %add3A_303 = arith.addi %mul3A_301, %iota3A_302 : vector<8x2048xi32>
    %swap3A = arith.constant 0 : index
    %swap3A_304 = arith.constant 0 : index
    %swap3A_305 = arith.constant 0 : index
    %swap3A_306 = vector.load %arg3[%swap3A, %swap3A_304, %swap3A_305] : memref<1x8x2048xi32, #tpu.memory_space<vmem>>, vector<1x8x2048xi32>
    %swap3A_307 = vector.shape_cast %swap3A_306 : vector<1x8x2048xi32> to vector<8x2048xi32>
    %swap3A_308 = vector.shape_cast %add3A_303 : vector<8x2048xi32> to vector<1x8x2048xi32>
    tpu.vector_store %arg3[%swap3A, %swap3A_304, %swap3A_305], %swap3A_308 {strides = array<i32>} : memref<1x8x2048xi32, #tpu.memory_space<vmem>>, vector<1x8x2048xi32>,
    return
  }
  func.func @transform_0(%arg0: i32) -> (i32, i32, i32) {
    %c0_i32 = arith.constant 0 : i32
    %c0_i32_0 = arith.constant 0 : i32
    %c0_i32_1 = arith.constant 0 : i32
    return %arg0, %c0_i32, %c0_i32_0 : i32, i32, i32
  }
  func.func @transform_1(%arg0: i32) -> (i32, i32) {
    %c0_i32 = arith.constant 0 : i32
    %c0_i32_0 = arith.constant 0 : i32
    %c0_i32_1 = arith.constant 0 : i32
    return %c0_i32, %c0_i32_0 : i32, i32
  }
  func.func @transform_2(%arg0: i32) -> (i32, i32, i32) {
    %c0_i32 = arith.constant 0 : i32
    %c0_i32_0 = arith.constant 0 : i32
    %c0_i32_1 = arith.constant 0 : i32
    return %arg0, %c0_i32, %c0_i32_0 : i32, i32, i32
  }
}

module attributes {stable_mosaic.version = 14 : i64} {
  func.func @_attn_body(%arg0: i32, %arg1: memref<1x512x128xf32, #tpu.memory_space<vmem>>, %arg2: memref<1x64x128xf32, #tpu.memory_space<vmem>>, %arg3: memref<8x1x64xi32, #tpu.memory_space<vmem>>, %arg4: memref<8x1x64xi32, #tpu.memory_space<vmem>>, %arg5: memref<1x512x1xi32, #tpu.memory_space<vmem>>, %arg6: memref<1x512x128xf32, #tpu.memory_space<vmem>>, %arg7: memref<1x64x128xf32, #tpu.memory_space<vmem>>, %arg8: memref<1x512x128xf32, #tpu.memory_space<vmem>>, %arg9: memref<1x512x16xf32, #tpu.memory_space<vmem>>) attributes {dimension_semantics = [#tpu.dimension_semantics<arbitrary>], iteration_bounds = array<i64: 512>, scalar_prefetch = 0 : i64, scratch_operands = 0 : i64, tpu.core_type = #tpu.core_type<tc>, window_params = [{transform_indices = @transform_0, window_bounds = array<i64: 1, 512, 128>}, {transform_indices = @transform_1, window_bounds = array<i64: 1, 64, 128>}, {transform_indices = @transform_2, window_bounds = array<i64: 8, 1, 64>}, {transform_indices = @transform_3, window_bounds = array<i64: 8, 1, 64>}, {transform_indices = @transform_4, window_bounds = array<i64: 1, 512, 1>}, {transform_indices = @transform_5, window_bounds = array<i64: 1, 512, 128>}, {transform_indices = @transform_6, window_bounds = array<i64: 1, 64, 128>}, {transform_indices = @transform_7, window_bounds = array<i64: 1, 512, 128>}, {transform_indices = @transform_8, window_bounds = array<i64: 1, 512, 16>}]} {
    %get3A = arith.constant 0 : index
    %get3A_0 = arith.constant 0 : index
    %get3A_1 = arith.constant 0 : index
    %get3A_2 = vector.load %arg1[%get3A, %get3A_0, %get3A_1] : memref<1x512x128xf32, #tpu.memory_space<vmem>>, vector<1x512x128xf32>
    %get3A_3 = vector.shape_cast %get3A_2 : vector<1x512x128xf32> to vector<512x128xf32>
    %get3A_4 = arith.constant 0 : index
    %get3A_5 = arith.constant 0 : index
    %get3A_6 = arith.constant 0 : index
    %get3A_7 = vector.load %arg2[%get3A_4, %get3A_5, %get3A_6] : memref<1x64x128xf32, #tpu.memory_space<vmem>>, vector<1x64x128xf32>
    %get3A_8 = vector.shape_cast %get3A_7 : vector<1x64x128xf32> to vector<64x128xf32>
    %concatenate3A = tpu.concatenate %get3A_8, %get3A_3 in 0 : vector<64x128xf32>, vector<512x128xf32> -> vector<576x128xf32>
    %mul3A = arith.mulf %concatenate3A, %concatenate3A : vector<576x128xf32>
    %reduce_sum3A = arith.constant dense<0.000000e+00> : vector<576xf32>
    %reduce_sum3A_9 = vector.multi_reduction <add>, %mul3A, %reduce_sum3A [1] : vector<576x128xf32> to vector<576xf32>
    %broadcast_in_dim3A = vector.shape_cast %reduce_sum3A_9 : vector<576xf32> to vector<576x1xf32>
    %sqrt3A = math.sqrt %broadcast_in_dim3A : vector<576x1xf32>
    %max3A = arith.constant 9.99999996E-13 : f32
    %max3A_10 = vector.broadcast %max3A : f32 to vector<576x1xf32>
    %max3A_11 = arith.maximumf %sqrt3A, %max3A_10 : vector<576x1xf32>
    %div3A = vector.broadcast %max3A_11 : vector<576x1xf32> to vector<576x128xf32>
    %div3A_12 = arith.divf %concatenate3A, %div3A : vector<576x128xf32>
    %reshape3A = vector.shape_cast %get3A_3 : vector<512x128xf32> to vector<8x64x128xf32>
    %slice3A = vector.extract_strided_slice %div3A_12 {offsets = [64, 0], sizes = [512, 128], strides = [1, 1]} : vector<576x128xf32> to vector<512x128xf32>
    %reshape3A_13 = vector.shape_cast %slice3A : vector<512x128xf32> to vector<8x64x128xf32>
    %slice3A_14 = vector.extract_strided_slice %div3A_12 {offsets = [0, 0], sizes = [512, 128], strides = [1, 1]} : vector<576x128xf32> to vector<512x128xf32>
    %reshape3A_15 = vector.shape_cast %slice3A_14 : vector<512x128xf32> to vector<8x64x128xf32>
    %concatenate3A_16 = tpu.concatenate %reshape3A_13, %reshape3A_15 in 1 : vector<8x64x128xf32>, vector<8x64x128xf32> -> vector<8x128x128xf32>
    %convert_element_type3A = arith.truncf %reshape3A : vector<8x64x128xf32> to vector<8x64x128xbf16>
    %convert_element_type3A_17 = arith.truncf %concatenate3A_16 : vector<8x128x128xf32> to vector<8x128x128xbf16>
    %dot_general3A = arith.constant dense<0.000000e+00> : vector<8x64x128xf32>
    %dot_general3A_18 = tpu.matmul %convert_element_type3A, %convert_element_type3A_17, %dot_general3A {dimension_numbers = #tpu.dot_dimension_numbers<[2], [2], [1], [1], [0, 0, 0, 1, 1, 1], [0], [0]>, transpose_lhs_hint = false} : vector<8x64x128xbf16>, vector<8x128x128xbf16>, vector<8x64x128xf32> -> vector<8x64x128xf32>
    %mul3A_19 = arith.constant 0.0883883461 : f32
    %mul3A_20 = vector.broadcast %mul3A_19 : f32 to vector<8x64x128xf32>
    %mul3A_21 = arith.mulf %dot_general3A_18, %mul3A_20 : vector<8x64x128xf32>
    %get3A_22 = arith.constant 0 : index
    %get3A_23 = arith.constant 0 : index
    %get3A_24 = arith.constant 0 : index
    %get3A_25 = vector.load %arg5[%get3A_22, %get3A_23, %get3A_24] : memref<1x512x1xi32, #tpu.memory_space<vmem>>, vector<1x512x1xi32>
    %get3A_26 = vector.shape_cast %get3A_25 : vector<1x512x1xi32> to vector<512x1xi32>
    %reshape3A_27 = vector.shape_cast %get3A_26 : vector<512x1xi32> to vector<8x64x1xi32>
    %get3A_28 = arith.constant 0 : index
    %get3A_29 = arith.constant 0 : index
    %get3A_30 = arith.constant 0 : index
    %get3A_31 = vector.load %arg3[%get3A_28, %get3A_29, %get3A_30] : memref<8x1x64xi32, #tpu.memory_space<vmem>>, vector<8x1x64xi32>
    %get3A_32 = vector.shape_cast %get3A_31 : vector<8x1x64xi32> to vector<8x64xi32>
    %get3A_33 = arith.constant 0 : index
    %get3A_34 = arith.constant 0 : index
    %get3A_35 = arith.constant 0 : index
    %get3A_36 = vector.load %arg4[%get3A_33, %get3A_34, %get3A_35] : memref<8x1x64xi32, #tpu.memory_space<vmem>>, vector<8x1x64xi32>
    %get3A_37 = vector.shape_cast %get3A_36 : vector<8x1x64xi32> to vector<8x64xi32>
    %concatenate3A_38 = tpu.concatenate %get3A_32, %get3A_37 in 1 : vector<8x64xi32>, vector<8x64xi32> -> vector<8x128xi32>
    %reshape3A_39 = vector.shape_cast %concatenate3A_38 : vector<8x128xi32> to vector<8x1x128xi32>
    %eq3A = vector.broadcast %reshape3A_27 : vector<8x64x1xi32> to vector<8x64x128xi32>
    %eq3A_40 = vector.broadcast %reshape3A_39 : vector<8x1x128xi32> to vector<8x64x128xi32>
    %eq3A_41 = arith.cmpi eq, %eq3A, %eq3A_40 : vector<8x64x128xi32>
    %jit3A = arith.constant -5.000000e+04 : f32
    %broadcast_in_dim3A_42 = vector.broadcast %jit3A : f32 to vector<8x64x128xf32>
    %select_n3A = arith.select %eq3A_41, %broadcast_in_dim3A_42, %mul3A_21 : vector<8x64x128xi1>, vector<8x64x128xf32>
    %reduce_max3A = arith.constant dense<0xFF800000> : vector<8x64xf32>
    %reduce_max3A_43 = vector.multi_reduction <maximumf>, %select_n3A, %reduce_max3A [2] : vector<8x64x128xf32> to vector<8x64xf32>
    %broadcast_in_dim3A_44 = vector.shape_cast %reduce_max3A_43 : vector<8x64xf32> to vector<8x64x1xf32>
    %sub3A = vector.broadcast %broadcast_in_dim3A_44 : vector<8x64x1xf32> to vector<8x64x128xf32>
    %sub3A_45 = arith.subf %select_n3A, %sub3A : vector<8x64x128xf32>
    %exp3A = math.exp %sub3A_45 : vector<8x64x128xf32>
    %reduce_sum3A_46 = arith.constant dense<0.000000e+00> : vector<8x64xf32>
    %reduce_sum3A_47 = vector.multi_reduction <add>, %exp3A, %reduce_sum3A_46 [2] : vector<8x64x128xf32> to vector<8x64xf32>
    %broadcast_in_dim3A_48 = vector.shape_cast %reduce_sum3A_47 : vector<8x64xf32> to vector<8x64x1xf32>
    %div3A_49 = vector.broadcast %broadcast_in_dim3A_48 : vector<8x64x1xf32> to vector<8x64x128xf32>
    %div3A_50 = arith.divf %exp3A, %div3A_49 : vector<8x64x128xf32>
    %get3A_51 = arith.constant 0 : index
    %get3A_52 = arith.constant 0 : index
    %get3A_53 = arith.constant 0 : index
    %get3A_54 = vector.load %arg7[%get3A_51, %get3A_52, %get3A_53] : memref<1x64x128xf32, #tpu.memory_space<vmem>>, vector<1x64x128xf32>
    %get3A_55 = vector.shape_cast %get3A_54 : vector<1x64x128xf32> to vector<64x128xf32>
    %get3A_56 = arith.constant 0 : index
    %get3A_57 = arith.constant 0 : index
    %get3A_58 = arith.constant 0 : index
    %get3A_59 = vector.load %arg6[%get3A_56, %get3A_57, %get3A_58] : memref<1x512x128xf32, #tpu.memory_space<vmem>>, vector<1x512x128xf32>
    %get3A_60 = vector.shape_cast %get3A_59 : vector<1x512x128xf32> to vector<512x128xf32>
    %concatenate3A_61 = tpu.concatenate %get3A_55, %get3A_60 in 0 : vector<64x128xf32>, vector<512x128xf32> -> vector<576x128xf32>
    %slice3A_62 = vector.extract_strided_slice %concatenate3A_61 {offsets = [64, 0], sizes = [512, 128], strides = [1, 1]} : vector<576x128xf32> to vector<512x128xf32>
    %reshape3A_63 = vector.shape_cast %slice3A_62 : vector<512x128xf32> to vector<8x64x128xf32>
    %slice3A_64 = vector.extract_strided_slice %concatenate3A_61 {offsets = [0, 0], sizes = [512, 128], strides = [1, 1]} : vector<576x128xf32> to vector<512x128xf32>
    %reshape3A_65 = vector.shape_cast %slice3A_64 : vector<512x128xf32> to vector<8x64x128xf32>
    %concatenate3A_66 = tpu.concatenate %reshape3A_63, %reshape3A_65 in 1 : vector<8x64x128xf32>, vector<8x64x128xf32> -> vector<8x128x128xf32>
    %convert_element_type3A_67 = arith.truncf %div3A_50 : vector<8x64x128xf32> to vector<8x64x128xbf16>
    %convert_element_type3A_68 = arith.truncf %concatenate3A_66 : vector<8x128x128xf32> to vector<8x128x128xbf16>
    %dot_general3A_69 = arith.constant dense<0.000000e+00> : vector<8x64x128xf32>
    %dot_general3A_70 = tpu.matmul %convert_element_type3A_67, %convert_element_type3A_68, %dot_general3A_69 {dimension_numbers = #tpu.dot_dimension_numbers<[2], [1], [1], [2], [0, 0, 0, 1, 1, 2], [0], [0]>, transpose_lhs_hint = false} : vector<8x64x128xbf16>, vector<8x128x128xbf16>, vector<8x64x128xf32> -> vector<8x64x128xf32>
    %reshape3A_71 = vector.shape_cast %dot_general3A_70 : vector<8x64x128xf32> to vector<512x128xf32>
    %swap3A = arith.constant 0 : index
    %swap3A_72 = arith.constant 0 : index
    %swap3A_73 = arith.constant 0 : index
    %swap3A_74 = vector.load %arg8[%swap3A, %swap3A_72, %swap3A_73] : memref<1x512x128xf32, #tpu.memory_space<vmem>>, vector<1x512x128xf32>
    %swap3A_75 = vector.shape_cast %swap3A_74 : vector<1x512x128xf32> to vector<512x128xf32>
    %swap3A_76 = vector.shape_cast %reshape3A_71 : vector<512x128xf32> to vector<1x512x128xf32>
    tpu.vector_store %arg8[%swap3A, %swap3A_72, %swap3A_73], %swap3A_76 {strides = array<i32>} : memref<1x512x128xf32, #tpu.memory_space<vmem>>, vector<1x512x128xf32>,
    %log3A = math.log %broadcast_in_dim3A_48 : vector<8x64x1xf32>
    %add3A = arith.addf %log3A, %broadcast_in_dim3A_44 : vector<8x64x1xf32>
    %reshape3A_77 = vector.shape_cast %add3A : vector<8x64x1xf32> to vector<512x1xf32>
    %broadcast_in_dim3A_78 = vector.shape_cast %reshape3A_77 : vector<512x1xf32> to vector<512x1xf32>
    %broadcast_in_dim3A_79 = vector.broadcast %broadcast_in_dim3A_78 : vector<512x1xf32> to vector<512x16xf32>
    %swap3A_80 = arith.constant 0 : index
    %swap3A_81 = arith.constant 0 : index
    %swap3A_82 = arith.constant 0 : index
    %swap3A_83 = vector.load %arg9[%swap3A_80, %swap3A_81, %swap3A_82] : memref<1x512x16xf32, #tpu.memory_space<vmem>>, vector<1x512x16xf32>
    %swap3A_84 = vector.shape_cast %swap3A_83 : vector<1x512x16xf32> to vector<512x16xf32>
    %swap3A_85 = vector.shape_cast %broadcast_in_dim3A_79 : vector<512x16xf32> to vector<1x512x16xf32>
    tpu.vector_store %arg9[%swap3A_80, %swap3A_81, %swap3A_82], %swap3A_85 {strides = array<i32>} : memref<1x512x16xf32, #tpu.memory_space<vmem>>, vector<1x512x16xf32>,
    return
  }
  func.func @transform_0(%arg0: i32) -> (i32, i32, i32) {
    %c0_i32 = arith.constant 0 : i32
    %c0_i32_0 = arith.constant 0 : i32
    %c0_i32_1 = arith.constant 0 : i32
    return %arg0, %c0_i32, %c0_i32_0 : i32, i32, i32
  }
  func.func @transform_1(%arg0: i32) -> (i32, i32, i32) {
    %mul3A = arith.constant 8 : i32
    %mul3A_0 = arith.muli %arg0, %mul3A : i32
    %jit3A = arith.constant 256 : i32
    %eq3A = arith.constant 0 : i32
    %eq3A_1 = arith.cmpi eq, %jit3A, %eq3A : i32
    %jit3A_2 = arith.constant 1 : i32
    %select_n3A = arith.select %eq3A_1, %jit3A_2, %jit3A : i32
    %rem3A = arith.remsi %mul3A_0, %select_n3A : i32
    %ne3A = arith.constant 0 : i32
    %ne3A_3 = arith.cmpi ne, %rem3A, %ne3A : i32
    %lt3A = arith.constant 0 : i32
    %lt3A_4 = arith.cmpi slt, %rem3A, %lt3A : i32
    %lt3A_5 = arith.constant 0 : i32
    %lt3A_6 = arith.cmpi slt, %select_n3A, %lt3A_5 : i32
    %ne3A_7 = arith.xori %lt3A_4, %lt3A_6 : i1
    %and3A = arith.andi %ne3A_7, %ne3A_3 : i1
    %add3A = arith.addi %rem3A, %select_n3A : i32
    %select_n3A_8 = arith.select %and3A, %add3A, %rem3A : i32
    %eq3A_9 = arith.constant 0 : i32
    %eq3A_10 = arith.cmpi eq, %select_n3A_8, %eq3A_9 : i32
    %add3A_11 = arith.constant 256 : i32
    %add3A_12 = arith.addi %mul3A_0, %add3A_11 : i32
    %sub3A = arith.constant 1 : i32
    %sub3A_13 = arith.subi %add3A_12, %sub3A : i32
    %sub3A_14 = arith.constant 1 : i32
    %sub3A_15 = arith.subi %mul3A_0, %sub3A_14 : i32
    %select_n3A_16 = arith.select %eq3A_10, %sub3A_13, %sub3A_15 : i32
    %c0_i32 = arith.constant 0 : i32
    %c0_i32_17 = arith.constant 0 : i32
    %c0_i32_18 = arith.constant 0 : i32
    return %select_n3A_16, %c0_i32, %c0_i32_17 : i32, i32, i32
  }
  func.func @transform_2(%arg0: i32) -> (i32, i32, i32) {
    %c0_i32 = arith.constant 0 : i32
    %c0_i32_0 = arith.constant 0 : i32
    %c0_i32_1 = arith.constant 0 : i32
    return %arg0, %c0_i32, %c0_i32_0 : i32, i32, i32
  }
  func.func @transform_3(%arg0: i32) -> (i32, i32, i32) {
    %c0_i32 = arith.constant 0 : i32
    %c0_i32_0 = arith.constant 0 : i32
    %c0_i32_1 = arith.constant 0 : i32
    return %arg0, %c0_i32, %c0_i32_0 : i32, i32, i32
  }
  func.func @transform_4(%arg0: i32) -> (i32, i32, i32) {
    %c0_i32 = arith.constant 0 : i32
    %c0_i32_0 = arith.constant 0 : i32
    %c0_i32_1 = arith.constant 0 : i32
    return %arg0, %c0_i32, %c0_i32_0 : i32, i32, i32
  }
  func.func @transform_5(%arg0: i32) -> (i32, i32, i32) {
    %c0_i32 = arith.constant 0 : i32
    %c0_i32_0 = arith.constant 0 : i32
    %c0_i32_1 = arith.constant 0 : i32
    return %arg0, %c0_i32, %c0_i32_0 : i32, i32, i32
  }
  func.func @transform_6(%arg0: i32) -> (i32, i32, i32) {
    %mul3A = arith.constant 8 : i32
    %mul3A_0 = arith.muli %arg0, %mul3A : i32
    %jit3A = arith.constant 256 : i32
    %eq3A = arith.constant 0 : i32
    %eq3A_1 = arith.cmpi eq, %jit3A, %eq3A : i32
    %jit3A_2 = arith.constant 1 : i32
    %select_n3A = arith.select %eq3A_1, %jit3A_2, %jit3A : i32
    %rem3A = arith.remsi %mul3A_0, %select_n3A : i32
    %ne3A = arith.constant 0 : i32
    %ne3A_3 = arith.cmpi ne, %rem3A, %ne3A : i32
    %lt3A = arith.constant 0 : i32
    %lt3A_4 = arith.cmpi slt, %rem3A, %lt3A : i32
    %lt3A_5 = arith.constant 0 : i32
    %lt3A_6 = arith.cmpi slt, %select_n3A, %lt3A_5 : i32
    %ne3A_7 = arith.xori %lt3A_4, %lt3A_6 : i1
    %and3A = arith.andi %ne3A_7, %ne3A_3 : i1
    %add3A = arith.addi %rem3A, %select_n3A : i32
    %select_n3A_8 = arith.select %and3A, %add3A, %rem3A : i32
    %eq3A_9 = arith.constant 0 : i32
    %eq3A_10 = arith.cmpi eq, %select_n3A_8, %eq3A_9 : i32
    %add3A_11 = arith.constant 256 : i32
    %add3A_12 = arith.addi %mul3A_0, %add3A_11 : i32
    %sub3A = arith.constant 1 : i32
    %sub3A_13 = arith.subi %add3A_12, %sub3A : i32
    %sub3A_14 = arith.constant 1 : i32
    %sub3A_15 = arith.subi %mul3A_0, %sub3A_14 : i32
    %select_n3A_16 = arith.select %eq3A_10, %sub3A_13, %sub3A_15 : i32
    %c0_i32 = arith.constant 0 : i32
    %c0_i32_17 = arith.constant 0 : i32
    %c0_i32_18 = arith.constant 0 : i32
    return %select_n3A_16, %c0_i32, %c0_i32_17 : i32, i32, i32
  }
  func.func @transform_7(%arg0: i32) -> (i32, i32, i32) {
    %c0_i32 = arith.constant 0 : i32
    %c0_i32_0 = arith.constant 0 : i32
    %c0_i32_1 = arith.constant 0 : i32
    return %arg0, %c0_i32, %c0_i32_0 : i32, i32, i32
  }
  func.func @transform_8(%arg0: i32) -> (i32, i32, i32) {
    %c0_i32 = arith.constant 0 : i32
    %c0_i32_0 = arith.constant 0 : i32
    %c0_i32_1 = arith.constant 0 : i32
    return %arg0, %c0_i32, %c0_i32_0 : i32, i32, i32
  }
}

module attributes {stable_mosaic.version = 14 : i64} {
  func.func @_combine_body(%arg0: i32, %arg1: i32, %arg2: memref<1x8x256x128xf32, #tpu.memory_space<vmem>>, %arg3: memref<1x256x8x16xf32, #tpu.memory_space<vmem>>, %arg4: memref<1x256x128xf32, #tpu.memory_space<vmem>>) attributes {dimension_semantics = [#tpu.dimension_semantics<arbitrary>, #tpu.dimension_semantics<arbitrary>], iteration_bounds = array<i64: 16, 8>, scalar_prefetch = 0 : i64, scratch_operands = 0 : i64, tpu.core_type = #tpu.core_type<tc>, window_params = [{transform_indices = @transform_0, window_bounds = array<i64: 1, 8, 256, 128>}, {transform_indices = @transform_1, window_bounds = array<i64: 1, 256, 8, 16>}, {transform_indices = @transform_2, window_bounds = array<i64: 1, 256, 128>}]} {
    %get3A = arith.constant 0 : index
    %get3A_0 = arith.constant 0 : index
    %get3A_1 = arith.constant 0 : index
    %get3A_2 = arith.constant 0 : index
    %get3A_3 = vector.load %arg3[%get3A, %get3A_0, %get3A_1, %get3A_2] : memref<1x256x8x16xf32, #tpu.memory_space<vmem>>, vector<1x256x8x16xf32>
    %get3A_4 = vector.shape_cast %get3A_3 : vector<1x256x8x16xf32> to vector<256x8x16xf32>
    %slice3A = vector.extract_strided_slice %get3A_4 {offsets = [0, 0, 0], sizes = [256, 8, 1], strides = [1, 1, 1]} : vector<256x8x16xf32> to vector<256x8x1xf32>
    %squeeze3A = vector.shape_cast %slice3A : vector<256x8x1xf32> to vector<256x8xf32>
    %reduce_max3A = arith.constant dense<0xFF800000> : vector<256xf32>
    %reduce_max3A_5 = vector.multi_reduction <maximumf>, %squeeze3A, %reduce_max3A [1] : vector<256x8xf32> to vector<256xf32>
    %broadcast_in_dim3A = vector.shape_cast %reduce_max3A_5 : vector<256xf32> to vector<256x1xf32>
    %sub3A = vector.broadcast %broadcast_in_dim3A : vector<256x1xf32> to vector<256x8xf32>
    %sub3A_6 = arith.subf %squeeze3A, %sub3A : vector<256x8xf32>
    %exp3A = math.exp %sub3A_6 : vector<256x8xf32>
    %reduce_sum3A = arith.constant dense<0.000000e+00> : vector<256xf32>
    %reduce_sum3A_7 = vector.multi_reduction <add>, %exp3A, %reduce_sum3A [1] : vector<256x8xf32> to vector<256xf32>
    %broadcast_in_dim3A_8 = vector.shape_cast %reduce_sum3A_7 : vector<256xf32> to vector<256x1xf32>
    %div3A = vector.broadcast %broadcast_in_dim3A_8 : vector<256x1xf32> to vector<256x8xf32>
    %div3A_9 = arith.divf %exp3A, %div3A : vector<256x8xf32>
    %iota3A = tpu.iota {dimensions = array<i32: 1>} : vector<8x1024xi32>
    %jit3A = arith.constant 128 : i32
    %div3A_10 = vector.broadcast %jit3A : i32 to vector<8x1024xi32>
    %div3A_11 = arith.divsi %iota3A, %div3A_10 : vector<8x1024xi32>
    %sign3A = arith.constant 0 : i32
    %sign3A_12 = vector.broadcast %sign3A : i32 to vector<8x1024xi32>
    %sign3A_13 = arith.cmpi sgt, %iota3A, %sign3A_12 : vector<8x1024xi32>
    %sign3A_14 = arith.extui %sign3A_13 : vector<8x1024xi1> to vector<8x1024xi32>
    %sign3A_15 = arith.constant 0 : i32
    %sign3A_16 = vector.broadcast %sign3A_15 : i32 to vector<8x1024xi32>
    %sign3A_17 = arith.cmpi slt, %iota3A, %sign3A_16 : vector<8x1024xi32>
    %sign3A_18 = arith.extui %sign3A_17 : vector<8x1024xi1> to vector<8x1024xi32>
    %sign3A_19 = arith.subi %sign3A_14, %sign3A_18 : vector<8x1024xi32>
    %sign3A_20 = arith.constant 0 : i32
    %sign3A_21 = arith.cmpi sgt, %jit3A, %sign3A_20 : i32
    %sign3A_22 = arith.extui %sign3A_21 : i1 to i32
    %sign3A_23 = arith.constant 0 : i32
    %sign3A_24 = arith.cmpi slt, %jit3A, %sign3A_23 : i32
    %sign3A_25 = arith.extui %sign3A_24 : i1 to i32
    %sign3A_26 = arith.subi %sign3A_22, %sign3A_25 : i32
    %ne3A = vector.broadcast %sign3A_26 : i32 to vector<8x1024xi32>
    %ne3A_27 = arith.cmpi ne, %sign3A_19, %ne3A : vector<8x1024xi32>
    %rem3A = vector.broadcast %jit3A : i32 to vector<8x1024xi32>
    %rem3A_28 = arith.remsi %iota3A, %rem3A : vector<8x1024xi32>
    %ne3A_29 = arith.constant 0 : i32
    %ne3A_30 = vector.broadcast %ne3A_29 : i32 to vector<8x1024xi32>
    %ne3A_31 = arith.cmpi ne, %rem3A_28, %ne3A_30 : vector<8x1024xi32>
    %and3A = arith.andi %ne3A_27, %ne3A_31 : vector<8x1024xi1>
    %sub3A_32 = arith.constant 1 : i32
    %sub3A_33 = vector.broadcast %sub3A_32 : i32 to vector<8x1024xi32>
    %sub3A_34 = arith.subi %div3A_11, %sub3A_33 : vector<8x1024xi32>
    %select_n3A = arith.select %and3A, %sub3A_34, %div3A_11 : vector<8x1024xi1>, vector<8x1024xi32>
    %iota3A_35 = tpu.iota {dimensions = array<i32: 0>} : vector<8x1024xi32>
    %eq3A = arith.cmpi eq, %select_n3A, %iota3A_35 : vector<8x1024xi32>
    %jit3A_36 = arith.constant 1.000000e+00 : f32
    %jit3A_37 = arith.constant 0.000000e+00 : f32
    %broadcast_in_dim3A_38 = vector.broadcast %jit3A_36 : f32 to vector<8x1024xf32>
    %broadcast_in_dim3A_39 = vector.broadcast %jit3A_37 : f32 to vector<8x1024xf32>
    %select_n3A_40 = arith.select %eq3A, %broadcast_in_dim3A_38, %broadcast_in_dim3A_39 : vector<8x1024xi1>, vector<8x1024xf32>
    %dot_general3A = arith.constant dense<0.000000e+00> : vector<256x1024xf32>
    %dot_general3A_41 = tpu.matmul %div3A_9, %select_n3A_40, %dot_general3A {dimension_numbers = #tpu.dot_dimension_numbers<[1], [0], [0], [1], [0, 0, 1, 1], [], []>, transpose_lhs_hint = false} : vector<256x8xf32>, vector<8x1024xf32>, vector<256x1024xf32> -> vector<256x1024xf32>
    %broadcast_in_dim3A_42 = arith.constant 0.000000e+00 : f32
    %broadcast_in_dim3A_43 = vector.broadcast %broadcast_in_dim3A_42 : f32 to vector<256x128xf32>
    %get3A_44 = arith.constant 0 : index
    %get3A_45 = arith.constant 0 : index
    %get3A_46 = arith.constant 0 : index
    %get3A_47 = arith.constant 0 : index
    %get3A_48 = vector.load %arg2[%get3A_44, %get3A_45, %get3A_46, %get3A_47] : memref<1x8x256x128xf32, #tpu.memory_space<vmem>>, vector<1x1x256x128xf32>
    %get3A_49 = vector.shape_cast %get3A_48 : vector<1x1x256x128xf32> to vector<256x128xf32>
    %slice3A_50 = vector.extract_strided_slice %dot_general3A_41 {offsets = [0, 0], sizes = [256, 128], strides = [1, 1]} : vector<256x1024xf32> to vector<256x128xf32>
    %mul3A = arith.mulf %get3A_49, %slice3A_50 : vector<256x128xf32>
    %add3A = arith.addf %broadcast_in_dim3A_43, %mul3A : vector<256x128xf32>
    %get3A_51 = arith.constant 0 : index
    %get3A_52 = arith.constant 1 : index
    %get3A_53 = arith.constant 0 : index
    %get3A_54 = arith.constant 0 : index
    %get3A_55 = vector.load %arg2[%get3A_51, %get3A_52, %get3A_53, %get3A_54] : memref<1x8x256x128xf32, #tpu.memory_space<vmem>>, vector<1x1x256x128xf32>
    %get3A_56 = vector.shape_cast %get3A_55 : vector<1x1x256x128xf32> to vector<256x128xf32>
    %slice3A_57 = vector.extract_strided_slice %dot_general3A_41 {offsets = [0, 128], sizes = [256, 128], strides = [1, 1]} : vector<256x1024xf32> to vector<256x128xf32>
    %mul3A_58 = arith.mulf %get3A_56, %slice3A_57 : vector<256x128xf32>
    %add3A_59 = arith.addf %add3A, %mul3A_58 : vector<256x128xf32>
    %get3A_60 = arith.constant 0 : index
    %get3A_61 = arith.constant 2 : index
    %get3A_62 = arith.constant 0 : index
    %get3A_63 = arith.constant 0 : index
    %get3A_64 = vector.load %arg2[%get3A_60, %get3A_61, %get3A_62, %get3A_63] : memref<1x8x256x128xf32, #tpu.memory_space<vmem>>, vector<1x1x256x128xf32>
    %get3A_65 = vector.shape_cast %get3A_64 : vector<1x1x256x128xf32> to vector<256x128xf32>
    %slice3A_66 = vector.extract_strided_slice %dot_general3A_41 {offsets = [0, 256], sizes = [256, 128], strides = [1, 1]} : vector<256x1024xf32> to vector<256x128xf32>
    %mul3A_67 = arith.mulf %get3A_65, %slice3A_66 : vector<256x128xf32>
    %add3A_68 = arith.addf %add3A_59, %mul3A_67 : vector<256x128xf32>
    %get3A_69 = arith.constant 0 : index
    %get3A_70 = arith.constant 3 : index
    %get3A_71 = arith.constant 0 : index
    %get3A_72 = arith.constant 0 : index
    %get3A_73 = vector.load %arg2[%get3A_69, %get3A_70, %get3A_71, %get3A_72] : memref<1x8x256x128xf32, #tpu.memory_space<vmem>>, vector<1x1x256x128xf32>
    %get3A_74 = vector.shape_cast %get3A_73 : vector<1x1x256x128xf32> to vector<256x128xf32>
    %slice3A_75 = vector.extract_strided_slice %dot_general3A_41 {offsets = [0, 384], sizes = [256, 128], strides = [1, 1]} : vector<256x1024xf32> to vector<256x128xf32>
    %mul3A_76 = arith.mulf %get3A_74, %slice3A_75 : vector<256x128xf32>
    %add3A_77 = arith.addf %add3A_68, %mul3A_76 : vector<256x128xf32>
    %get3A_78 = arith.constant 0 : index
    %get3A_79 = arith.constant 4 : index
    %get3A_80 = arith.constant 0 : index
    %get3A_81 = arith.constant 0 : index
    %get3A_82 = vector.load %arg2[%get3A_78, %get3A_79, %get3A_80, %get3A_81] : memref<1x8x256x128xf32, #tpu.memory_space<vmem>>, vector<1x1x256x128xf32>
    %get3A_83 = vector.shape_cast %get3A_82 : vector<1x1x256x128xf32> to vector<256x128xf32>
    %slice3A_84 = vector.extract_strided_slice %dot_general3A_41 {offsets = [0, 512], sizes = [256, 128], strides = [1, 1]} : vector<256x1024xf32> to vector<256x128xf32>
    %mul3A_85 = arith.mulf %get3A_83, %slice3A_84 : vector<256x128xf32>
    %add3A_86 = arith.addf %add3A_77, %mul3A_85 : vector<256x128xf32>
    %get3A_87 = arith.constant 0 : index
    %get3A_88 = arith.constant 5 : index
    %get3A_89 = arith.constant 0 : index
    %get3A_90 = arith.constant 0 : index
    %get3A_91 = vector.load %arg2[%get3A_87, %get3A_88, %get3A_89, %get3A_90] : memref<1x8x256x128xf32, #tpu.memory_space<vmem>>, vector<1x1x256x128xf32>
    %get3A_92 = vector.shape_cast %get3A_91 : vector<1x1x256x128xf32> to vector<256x128xf32>
    %slice3A_93 = vector.extract_strided_slice %dot_general3A_41 {offsets = [0, 640], sizes = [256, 128], strides = [1, 1]} : vector<256x1024xf32> to vector<256x128xf32>
    %mul3A_94 = arith.mulf %get3A_92, %slice3A_93 : vector<256x128xf32>
    %add3A_95 = arith.addf %add3A_86, %mul3A_94 : vector<256x128xf32>
    %get3A_96 = arith.constant 0 : index
    %get3A_97 = arith.constant 6 : index
    %get3A_98 = arith.constant 0 : index
    %get3A_99 = arith.constant 0 : index
    %get3A_100 = vector.load %arg2[%get3A_96, %get3A_97, %get3A_98, %get3A_99] : memref<1x8x256x128xf32, #tpu.memory_space<vmem>>, vector<1x1x256x128xf32>
    %get3A_101 = vector.shape_cast %get3A_100 : vector<1x1x256x128xf32> to vector<256x128xf32>
    %slice3A_102 = vector.extract_strided_slice %dot_general3A_41 {offsets = [0, 768], sizes = [256, 128], strides = [1, 1]} : vector<256x1024xf32> to vector<256x128xf32>
    %mul3A_103 = arith.mulf %get3A_101, %slice3A_102 : vector<256x128xf32>
    %add3A_104 = arith.addf %add3A_95, %mul3A_103 : vector<256x128xf32>
    %get3A_105 = arith.constant 0 : index
    %get3A_106 = arith.constant 7 : index
    %get3A_107 = arith.constant 0 : index
    %get3A_108 = arith.constant 0 : index
    %get3A_109 = vector.load %arg2[%get3A_105, %get3A_106, %get3A_107, %get3A_108] : memref<1x8x256x128xf32, #tpu.memory_space<vmem>>, vector<1x1x256x128xf32>
    %get3A_110 = vector.shape_cast %get3A_109 : vector<1x1x256x128xf32> to vector<256x128xf32>
    %slice3A_111 = vector.extract_strided_slice %dot_general3A_41 {offsets = [0, 896], sizes = [256, 128], strides = [1, 1]} : vector<256x1024xf32> to vector<256x128xf32>
    %mul3A_112 = arith.mulf %get3A_110, %slice3A_111 : vector<256x128xf32>
    %add3A_113 = arith.addf %add3A_104, %mul3A_112 : vector<256x128xf32>
    %swap3A = arith.constant 0 : index
    %swap3A_114 = arith.constant 0 : index
    %swap3A_115 = arith.constant 0 : index
    %swap3A_116 = vector.load %arg4[%swap3A, %swap3A_114, %swap3A_115] : memref<1x256x128xf32, #tpu.memory_space<vmem>>, vector<1x256x128xf32>
    %swap3A_117 = vector.shape_cast %swap3A_116 : vector<1x256x128xf32> to vector<256x128xf32>
    %swap3A_118 = vector.shape_cast %add3A_113 : vector<256x128xf32> to vector<1x256x128xf32>
    tpu.vector_store %arg4[%swap3A, %swap3A_114, %swap3A_115], %swap3A_118 {strides = array<i32>} : memref<1x256x128xf32, #tpu.memory_space<vmem>>, vector<1x256x128xf32>,
    return
  }
  func.func @transform_0(%arg0: i32, %arg1: i32) -> (i32, i32, i32, i32) {
    %c0_i32 = arith.constant 0 : i32
    %c0_i32_0 = arith.constant 0 : i32
    %c0_i32_1 = arith.constant 0 : i32
    return %arg0, %c0_i32, %arg1, %c0_i32_0 : i32, i32, i32, i32
  }
  func.func @transform_1(%arg0: i32, %arg1: i32) -> (i32, i32, i32, i32) {
    %c0_i32 = arith.constant 0 : i32
    %c0_i32_0 = arith.constant 0 : i32
    %c0_i32_1 = arith.constant 0 : i32
    return %arg0, %arg1, %c0_i32, %c0_i32_0 : i32, i32, i32, i32
  }
  func.func @transform_2(%arg0: i32, %arg1: i32) -> (i32, i32, i32) {
    %c0_i32 = arith.constant 0 : i32
    %c0_i32_0 = arith.constant 0 : i32
    return %arg0, %arg1, %c0_i32 : i32, i32, i32
  }
}

</mosaic_0001>

<sc_bundles>
// kernel: _run.10.cloned.1.call-start
scs
__scs_entry_jumppad:
0x0: {  	(pc) =	sbr.rel $0x88, $3  }
0x1: {  	(tag) =	ssettag $0x0;
	lr =	simm.s32 $0x1  }
0x2: {  	[smem:$0x3F9F] =	sst lr;
	_ =	strace $0xD0000000  }
0x3: {  	_ = 	snop  }
0x4: {  	_ = 	snop  }
0x5: {  	_ = 	snop  }
0x6: {  	_ = 	snop  }
0x7: {  	_ = 	snop  }
__scs_overlays_trampoline_lowered:
0x8: {  	[smem:$0x3FAE] =	sst s0  }
0x9: {  	[smem:$0x3FAF] =	sst s1  }
0xa: {  	[smem:$0x3FB0] =	sst s2  }
0xb: {  	[smem:$0x3FB1] =	sst s3  }
0xc: {  	[smem:$0x3FB2] =	sst s4  }
0xd: {  	[smem:$0x3FB3] =	sst s5  }
0xe: {  	[smem:$0x3FB4] =	sst s6  }
0xf: {  	[smem:$0x3FB5] =	sst s7  }
0x10: {  	[smem:$0x3FB6] =	sst s8  }
0x11: {  	[smem:$0x3FB7] =	sst s9;
	s0 =	simm.s32 @!p0 $0x0  }
0x12: {  	s1 =	sld [smem:$0x3F9D];
	s0 =	simm.s32 @p0 $0x1  }
0x13: {  	[smem:$0x3FB8] =	sst s0;
	s0 =	simm.s32 @!p1 $0x0  }
0x14: {  	s2 =	sld [smem:$0x3F9C];
	s0 =	simm.s32 @p1 $0x1  }
0x15: {  	[smem:$0x3FB9] =	sst s0;
	s0 =	simm.s32 @!p2 $0x0  }
0x16: {  	s3 =	sld [smem:$0x3FDB];
	s0 =	simm.s32 @p2 $0x1  }
0x17: {  	s4 =	simm.s32 $0x1BF5;
	[smem:$0x3FBB] =	sst s0  }
0x18: {  	s0 =	sld [smem:$0x3F9E];
	_ =	swait.ge [sflag:s4], $0x0  }
0x19: {  	s7 =	sld [smem:$0x3F9F]  }
0x1a: {  	s8 =	sadd.s32 $0xFFFFE003, lr  }
0x1b: {  	s9 =	sadd.s32 $0xFFFFFEF7, lr;
	s5 =	simm.s32 $0xFFFFFFFF;
	p2 =	slt.u32 s8, $0xFFFFF086  }
0x1c: {  	p1 =	slt.u32 s9, $0xF7A;
	s5 =	simm.s32 @!p2 $0x0  }
0x1d: {  	s5 =	simm.s32 @p1 $0x1;
	p0 =	seq.s32 s7, s2  }
0x1e: {  	s7 =	smul.u32 @!p0 $0xF7A, s2;
	p2 =	seq.s32 @!p0 s5, $0x0  }
0x1f: {  	s9 =	smul.u32 $0xF7A, s1;
	s8 =	simm.s32 @!p0 $0x1BF5;
	p2 =	por !p2, p0  }
0x20: {  	[sflag:s8] =	ssyncset.s32 @!p0 $0xFFFFF086;
	s6 =	sadd.s32 @!p0 s3, s7;
	s7 =	simm.s32 @!p0 $0x108  }
0x21: {  	s3 =	sadd.s32 s3, s9;
	s6 =	sadd.s32 @!p0 $0x88, s6;
	s7 =	simm.s32 @p2 $0x1082  }
0x22: {  	[simem:s7], [sflag:s8] =	dma.local @!p0 [hbm:s6], $0xF7A  }
0x23: {  	s9 =	sor.u32 $0xD0000000, s2;
	s6 =	simm.s32 $0x108;
	_ =	swait.ge @!p0 [sflag:s8], $0x0  }
0x24: {  	s3 =	sadd.s32 $0x88, s3;
	s6 =	simm.s32 @!p1 $0x1082;
	[sflag:s4] =	ssyncset.s32 $0xFFFFF086  }
0x25: {  	[simem:s6], [sflag:s4] =	dma.local [hbm:s3], $0xF7A  }
0x26: {  	[smem:$0x3F9F] =	sst s1;
	(tag) =	ssettag s2;
	_ =	strace s9  }
0x27: {  	s1 =	sld [smem:$0x3FAF]  }
0x28: {  	s2 =	sld [smem:$0x3FB0]  }
0x29: {  	s4 =	sld [smem:$0x3FB2]  }
0x2a: {  	p0 =	seq.s32 s5, $0x0;
	s5 =	sld [smem:$0x3FB3]  }
0x2b: {  	s6 =	sld [smem:$0x3FB4]  }
0x2c: {  	s7 =	sld [smem:$0x3FB5]  }
0x2d: {  	s3 =	simm.s32 $0x108;
	s8 =	sld [smem:$0x3FB6]  }
0x2e: {  	s3 =	simm.s32 @!p0 $0x1082;
	s9 =	sld [smem:$0x3FB7]  }
0x2f: {  	lr =	sadd.s32 s0, s3;
	s0 =	sld [smem:$0x3FAE]  }
0x30: {  	s3 =	sld [smem:$0x3FB1]  }
0x31: {  	[smem:$0x3FBA] =	sst s10  }
0x32: {  	s10 =	sld [smem:$0x3FB8];
	_ =	sdelay $0x3  }
0x33: {  	p0 =	seq.s32 s10, $0x1;
	s10 =	sld [smem:$0x3FBA];
	_ =	sdelay $0x3  }
0x34: {  	[smem:$0x3FBA] =	sst s10  }
0x35: {  	s10 =	sld [smem:$0x3FB9];
	_ =	sdelay $0x3  }
0x36: {  	p1 =	seq.s32 s10, $0x1;
	s10 =	sld [smem:$0x3FBA];
	_ =	sdelay $0x3  }
0x37: {  	[smem:$0x3FBA] =	sst s10  }
0x38: {  	s10 =	sld [smem:$0x3FBB]  }
0x39: {  	_ = 	snop;
	(pc) =	sbr.ind lr, $3  }
0x3a: {  	_ = 	snop  }
0x3b: {  	_ = 	snop  }
0x3c: {  	p2 =	seq.s32 s10, $0x1;
	s10 =	sld [smem:$0x3FBA]  }
0x3d: {  	_ =	shalt  }
0x3e: {  	_ =	shalt  }
0x3f: {  	_ =	shalt  }
0x40: {  	_ =	shalt  }
0x41: {  	_ =	shalt  }
0x42: {  	_ =	shalt  }
0x43: {  	_ =	shalt  }
0x44: {  	_ =	shalt  }
0x45: {  	_ =	shalt  }
0x46: {  	_ =	shalt  }
0x47: {  	_ =	shalt  }
0x48: {  	_ =	shalt  }
0x49: {  	_ =	shalt  }
0x4a: {  	_ =	shalt  }
0x4b: {  	_ =	shalt  }
0x4c: {  	_ =	shalt  }
0x4d: {  	_ =	shalt  }
0x4e: {  	_ =	shalt  }
0x4f: {  	_ =	shalt  }
0x50: {  	_ =	shalt  }
0x51: {  	_ =	shalt  }
0x52: {  	_ =	shalt  }
0x53: {  	_ =	shalt  }
0x54: {  	_ =	shalt  }
0x55: {  	_ =	shalt  }
0x56: {  	_ =	shalt  }
0x57: {  	_ =	shalt  }
0x58: {  	_ =	shalt  }
0x59: {  	_ =	shalt  }
0x5a: {  	_ =	shalt  }
0x5b: {  	_ =	shalt  }
0x5c: {  	_ =	shalt  }
0x5d: {  	_ =	shalt  }
0x5e: {  	_ =	shalt  }
0x5f: {  	_ =	shalt  }
0x60: {  	_ =	shalt  }
0x61: {  	_ =	shalt  }
0x62: {  	_ =	shalt  }
0x63: {  	_ =	shalt  }
0x64: {  	_ =	shalt  }
0x65: {  	_ =	shalt  }
0x66: {  	_ =	shalt  }
0x67: {  	_ =	shalt  }
0x68: {  	_ =	shalt  }
0x69: {  	_ =	shalt  }
0x6a: {  	_ =	shalt  }
0x6b: {  	_ =	shalt  }
0x6c: {  	_ =	shalt  }
0x6d: {  	_ =	shalt  }
0x6e: {  	_ =	shalt  }
0x6f: {  	_ =	shalt  }
0x70: {  	_ =	shalt  }
0x71: {  	_ =	shalt  }
0x72: {  	_ =	shalt  }
0x73: {  	_ =	shalt  }
0x74: {  	_ =	shalt  }
0x75: {  	_ =	shalt  }
0x76: {  	_ =	shalt  }
0x77: {  	_ =	shalt  }
0x78: {  	_ =	shalt  }
0x79: {  	_ =	shalt  }
0x7a: {  	_ =	shalt  }
0x7b: {  	_ =	shalt  }
0x7c: {  	_ =	shalt  }
0x7d: {  	_ =	shalt  }
0x7e: {  	_ =	shalt  }
0x7f: {  	_ =	shalt  }
0x80: {  	_ =	shalt  }
0x81: {  	_ =	shalt  }
0x82: {  	_ =	shalt  }
0x83: {  	_ =	shalt  }
0x84: {  	_ =	shalt  }
0x85: {  	_ =	shalt  }
0x86: {  	_ =	shalt  }
0x87: {  	_ =	shalt  }
.Lfunc_end0:
.L_simem_size_0:
called_computation.1_lowered:
.L_overlay_start_0:
0x88: {  	s2 =	sld [smem:$0x3FD9]  }
0x89: {  	s3 =	sld [smem:$0x3FFE];
	_ =	sdelay $0x1  }
0x8a: {  	s1 =	srdreg.scid  }
0x8b: {  	s0 =	sand.u32 $0x1, s1  }
0x8c: {  	s17 =	sshll.u32 s0, $0xA;
	s2 =	sadd.s32 s3, s2  }
0x8d: {  	s2 =	sadd.s32 s2, s17  }
0x8e: {  	[smem:$0x3FC6] =	sst s2  }
0x8f: {  	_ = 	snop  }
0x90: {  	s2 =	sld [smem:$0x3FD0];
	(tm) =	ssettm $0x1  }
0x91: {  	s18 =	sld [smem:$0x3FFB];
	_ =	sdelay $0x3  }
0x92: {  	_ =	strace s18  }
0x93: {  	s3 =	sld [smem:$0x3FFC];
	_ =	sdelay $0x3  }
0x94: {  	_ =	strace s3  }
0x95: {  	s3 =	sld [smem:$0x3FFD];
	_ =	sdelay $0x3  }
0x96: {  	_ =	strace s3  }
0x97: {  	_ =	strace $0x8FFFFFFF  }
0x98: {  	s19 =	sld [smem:$0x3FDB];
	_ =	sdelay $0x1  }
0x99: {  	s4 =	simm.s32 $_scs_section_size  }
0x9a: {  	s5 =	simm.s32 $_size__tile_overlayer_lowered;
	s6 =	simm.s32 $_tile_overlayer_lowered  }
0x9b: {  	s22 =	simm.s32 $0x1BFF;
	s21 =	sshll.u32 s6, $0x1;
	s3 =	sadd.s32 s4, s19  }
0x9c: {  	s7 =	simm.s32 $0x0;
	s20 =	sshll.u32 s5, $0x1;
	s5 =	sadd.s32 s21, s3  }
0x9d: {  	[timem:s7], [sflag:s22] =	dma.local [hbm:s5], s20  }
0x9e: {  	_ =	swait.ge [sflag:s22], s20  }
0x9f: {  	s4 =	ssub.s32 $0x0, s20;
	[sflag:s22] =	ssyncset.done $0x0  }
0xa0: {  	[sflag:s22] =	ssyncadd.s32 s4;
	_ =	sdelay $0x1  }
0xa1: {  	s23 =	simm.s32 $0x1B8B  }
0xa2: {  	_ =	swait.ge [sflag:s23], $0x1  }
0xa3: {  	[sflag:s23] =	ssyncset.done $0x0  }
0xa4: {  	s25 =	simm.s32 $0x1B8E;
	s24 =	sld [smem:$0x3FFE];
	[sflag:s23] =	ssyncadd.s32 $0xFFFFFFFF  }
0xa5: {  	s26 =	simm.s32 $execute0_lowered;
	[smem:$0x3FD2] =	sst s25  }
0xa6: {  	s5 =	sshll.u32 s26, $0x1;
	_ =	strace $0x80000049;
	[dreg:$0x1] =	wrdreg $0xFFFFFFFF  }
0xa7: {  	s28 =	simm.s32 $_size_execute0_lowered;
	s3 =	sadd.s32 s3, s5;
	[dreg:$0x0] =	wrdreg $0x0  }
0xa8: {  	s5 =	sshll.u32 s28, $0x1;
	[dreg:$0x2] =	wrdreg s3  }
0xa9: {  	[dreg:$0x3] =	wrdreg s5  }
0xaa: {  	[dreg:$0x4] =	wrdreg $0xC0  }
0xab: {  	_ =	task [dreg:s7], $0x5FFFF  }
0xac: {  	[dreg:$0x1] =	wrdreg $0xFFFFFFFF  }
0xad: {  	[dreg:$0x0] =	wrdreg $0x60  }
0xae: {  	[dreg:$0x2] =	wrdreg s24  }
0xaf: {  	[dreg:$0x3] =	wrdreg s2  }
0xb0: {  	[dreg:$0x4] =	wrdreg $0x9  }
0xb1: {  	_ =	task.clear_ibuf [dreg:s7], $0x5FFFF;
	_ =	strace $0x90000049  }
0xb2: {  	s29 =	simm.s32 $0x9;
	_ =	strace $0x8000004B  }
0xb3: {  	_ =	swait.ge [sflag:s29], $0x1  }
0xb4: {  	[sflag:s29] =	ssyncadd.s32 $0xFFFFFFFF  }
0xb5: {  	_ =	strace $0x9000004B  }
0xb6: {  	_ =	sfence  }
0xb7: {  	s30 =	sld [smem:$0x0];
	_ =	sdelay $0x2  }
0xb8: {  	s31 =	sshll.u32 s1, $0xD;
	s1 =	sshrl.u32 s1, $0x2  }
0xb9: {  	s3 =	sand.u32 $0x4000, s31;
	s1 =	sadd.s32 s1, s30  }
0xba: {  	s0 =	sor.u32 s3, s0;
	s1 =	sshll.u32 s1, $0x11  }
0xbb: {  	s0 =	sor.u32 s1, s0  }
0xbc: {  	s0 =	sadd.s32 $0x8F2B, s0  }
0xbd: {  	[sflag:s0] =	ssyncadd.remote.s32 $0x1  }
0xbe: {  	_ =	sfence.sel $0xFFFF  }
0xbf: {  	[dreg:$0x0] =	wrdreg $0xFFFFFFFF;
	(pc) =	sbr.abs _section_cstart, $3  }
0xc0: {  	[dreg:$0x1] =	wrdreg $0xFFFFFFFF  }
0xc1: {  	_ =	task.clear_ibuf [dreg:s7], $0x2FFFF;
	_ =	strace $0x9FFFFFFF  }
0xc2: {  	(tm) =	ssettm $0x7FFFFFFF  }
0xc3: {  	_ =	shalt  }
tec
execute0_lowered:
.L_overlay_start_1:
0x0: {  	(tag) =	ssettag $0x1  }
0x1: {  	s1 =	srdreg.scid  }
0x2: {  	s4 =	rddreg [dreg:$0x0];
	s0 =	stileid.u32  }
0x3: {  	s8 =	rddreg [dreg:$0x1];
	s2 =	simm.s32 $0x0;
	s13 =	simm.s32 $0x8000  }
0x4: {  	s14 =	simm.s32 $0x80;
	s15 =	simm.s32 $0x1;
	s16 =	simm.s32 $0x2  }
0x5: {  	s17 =	simm.s32 $0x0;
	s7 =	sand.u32 $0x1, s1;
	s1 =	rddreg [dreg:$0x2]  }
0x6: {  	s3 =	sshll.u32 s0, $0xE;
	[smem:$0x7FF] =	sst s2;
	s29 =	sshll.u32 s0, $0x12  }
0x7: {  	s30 =	sshll.u32 s0, $0xF;
	s5 =	sshll.u32 s7, $0xD;
	_ =	strace $0x8000004A  }
0x8: {  	s9 =	sadd.s32 s29, s4;
	s10 =	ssub.s32 $0x2, s7;
	s8 =	sadd.s32 s30, s8  }
0x9: {  	s31 =	sshll.u32 s7, $0xE;
	s12 =	sshll.u32 s7, $0x11;
	s3 =	sor.u32 s5, s3  }
0xa: {  	s11 =	sshrl.u32 s10, $0x1;
	s8 =	sadd.s32 s31, s8;
	s9 =	sadd.s32 s12, s9  }
0xb: {  	s12 =	simm.s32 $0x4000;
	s3 =	sshrl.u32 s3, $0x3;
	s10 =	ssub.s32 s10, s11  }
0xc: {  	s9 =	sadd.s32 $0x1010C00, s9;
	s11 =	simm.s32 $0x2000;
	s6 =	sadd.s32 s3, s4  }
0xd: {  	s3 =	sadd.s32 $0xC00, s4;
	s4 =	sadd.s32 $0xC10C00, s4;
	s7 =	smax.u32 s10, $0x1  }
0xe: {  	s10 =	simm.s32 $0x3;
	s5 =	sadd.s32 $0xC08C00, s6;
	s6 =	sadd.s32 $0xC00C00, s6  }
.LBB2_1:
0xf: {  	[tilespmem:s2], [sflag:$0x3] =	stream.linear.gather [hbm4b:s5+s2], $0x2000, $0x38;
	[tilespmem:$0x8800] =	vst v63  }
0x10: {  	_ =	swait.ge [sflag:s10], $0x2000  }
0x11: {  	[sflag:s10] =	ssyncset.done $0x0  }
0x12: {  	[sflag:s10] =	ssyncadd.s32 $0xFFFFE000  }
0x13: {  	[tilespmem:s11], [sflag:$0x3] =	stream.linear.gather [hbm4b:s6+s2], $0x2000, $0x38;
	[tilespmem:$0x8800] =	vst v63  }
0x14: {  	_ =	swait.ge [sflag:s10], $0x2000  }
0x15: {  	[sflag:s10] =	ssyncset.done $0x0  }
0x16: {  	[sflag:s10] =	ssyncadd.s32 $0xFFFFE000  }
0x17: {  	[tilespmem:s12], [sflag:$0x3] =	stream.linear.gather [hbm4b:s9+s2], $0x4000, $0x38;
	[tilespmem:$0x8800] =	vst v63  }
0x18: {  	_ =	swait.ge [sflag:s10], $0x4000  }
0x19: {  	[sflag:s10] =	ssyncset.done $0x0  }
0x1a: {  	[sflag:s10] =	ssyncadd.s32 $0xFFFFC000  }
0x1b: {  	[tilespmem:s13], [sflag:$0x3] =	stream.linear.gather [hbm4b:s8+s2], $0x800, $0x38;
	[tilespmem:$0x8800] =	vst v63  }
0x1c: {  	_ =	swait.ge [sflag:s10], $0x800  }
0x1d: {  	[sflag:s10] =	ssyncset.done $0x0  }
0x1e: {  	s18 =	simm.s32 $0x0;
	[sflag:s10] =	ssyncadd.s32 $0xFFFFF800  }
0x1f: {  	[hbm4b:s3+s14] =	stream.indirect.scatter [tilespmem:s12], [sflag:$0x1], $0x80, s18, s14, $0xb8;
	[tilespmem:$0x8800] =	vst v63  }
0x20: {  	s31 =	simm.s32 $0x2000  }
0x21: {  	[hbm4b:s4+s14] =	stream.indirect.scatter [tilespmem:s13], [sflag:$0x2], $0x10, s31, s14, $0xb8;
	[tilespmem:$0x8800] =	vst v63  }
0x22: {  	_ =	swait.ge [sflag:s15], $0x4000  }
0x23: {  	[sflag:s15] =	ssyncset.done $0x0  }
0x24: {  	[sflag:s15] =	ssyncadd.s32 $0xFFFFC000  }
0x25: {  	s19 =	smov.u32 s8;
	_ =	swait.ge [sflag:s16], $0x800  }
0x26: {  	s20 =	smov.u32 s9;
	s18 =	simm.s32 $0x200;
	[sflag:s16] =	ssyncset.done $0x0  }
.LBB2_2:
0x27: {  	[sflag:s16] =	ssyncadd.s32 $0xFFFFF800  }
0x28: {  	s19 =	sadd.s32 $0x100, s19;
	s20 =	sadd.s32 $0x800, s20;
	s21 =	smov.u32 s18  }
0x29: {  	[tilespmem:s12], [sflag:$0x3] =	stream.linear.gather [hbm4b:s20+s2], $0x4000, $0x38;
	[tilespmem:$0x8800] =	vst v63  }
0x2a: {  	p0 =	sne.s32 s18, $0x7E00;
	s18 =	sadd.s32 $0x200, s18;
	_ =	swait.ge [sflag:s10], $0x4000  }
0x2b: {  	[sflag:s10] =	ssyncset.done $0x0  }
0x2c: {  	[sflag:s10] =	ssyncadd.s32 $0xFFFFC000  }
0x2d: {  	[tilespmem:s13], [sflag:$0x3] =	stream.linear.gather [hbm4b:s19+s2], $0x800, $0x38;
	[tilespmem:$0x8800] =	vst v63  }
0x2e: {  	_ =	swait.ge [sflag:s10], $0x800  }
0x2f: {  	[sflag:s10] =	ssyncset.done $0x0  }
0x30: {  	s21 =	sshra.s32 s21, $0x2;
	[sflag:s10] =	ssyncadd.s32 $0xFFFFF800  }
0x31: {  	[hbm4b:s3+s14] =	stream.indirect.scatter [tilespmem:s12], [sflag:$0x1], $0x80, s21, s14, $0xb8;
	[tilespmem:$0x8800] =	vst v63  }
0x32: {  	s21 =	sadd.s32 $0x2000, s21  }
0x33: {  	[hbm4b:s4+s14] =	stream.indirect.scatter [tilespmem:s13], [sflag:$0x2], $0x10, s21, s14, $0xb8;
	[tilespmem:$0x8800] =	vst v63  }
.Ltmp0:
0x34: {  	_ =	swait.ge [sflag:s15], $0x4000;
	(pc) =	sbr.rel @p0 .LBB2_2-.Ltmp0, $4  }
0x35: {  	[sflag:s15] =	ssyncset.done $0x0  }
0x36: {  	[sflag:s15] =	ssyncadd.s32 $0xFFFFC000  }
0x37: {  	_ =	swait.ge [sflag:s16], $0x800  }
0x38: {  	[sflag:s16] =	ssyncset.done $0x0  }
0x39: {  	s17 =	sadd.s32 $0x1, s17  }
0x3a: {  	p0 =	sne.s32 s17, s7  }
.Ltmp1:
0x3b: {  	_ = 	snop;
	(pc) =	sbr.rel @p0 .LBB2_1-.Ltmp1, $2  }
0x3c: {  	_ =	sdelay $0x2  }
0x3d: {  	[sflag:s16] =	ssyncadd.s32 $0xFFFFF800  }
0x3e: {  	_ =	sfence.sel $0x180000  }
0x3f: {  	[bflag:$0x0] =	sbarrier.arrive $0xFFFF  }
0x40: {  	p0 =	sne.s32 s0, $0x0;
	_ =	strace $0x9000004A  }
0x41: {  	s0 =	sadd.s32 @!p0 $0x100000, s1;
	[bflag:$0x2] =	sbarrier.arrive $0xFFFF  }
0x42: {  	[sflag:s0] =	ssyncadd.tile.s32 @!p0 $0x1;
	_ =	shalt  }
.Lfunc_end2:
_tile_overlayer_lowered:
.L_overlay_start_2:
0x43: {  	(tag) =	ssettag $0x2  }
0x44: {  	s0 =	rddreg [dreg:$0x0];
	s2 =	stileid.u32  }
0x45: {  	s1 =	rddreg [dreg:$0x1];
	p0 =	sne.s32 s2, $0x0  }
0x46: {  	s3 =	rddreg [dreg:$0x2];
	[bflag:$0x3] =	sbarrier.arrive $0xFFFF;
	s2 =	simm.s32 @!p0 $0x1C03  }
0x47: {  	[timem:s3], [sflag:s2] =	dma.local @!p0 [hbm:s0], s1  }
0x48: {  	s0 =	simm.s32 @!p0 $0x3  }
0x49: {  	_ =	swait.ge @!p0 [sflag:s0], s1  }
0x4a: {  	s1 =	ssub.s32 @!p0 $0x0, s1;
	[sflag:s0] =	ssyncset.done @!p0 $0x0  }
0x4b: {  	[sflag:s0] =	ssyncadd.s32 @!p0 s1  }
0x4c: {  	[bflag:$0x3] =	sbarrier.arrive $0xFFFF  }
0x4d: {  	_ =	shalt  }

// kernel: _run.7.cloned.1.call-start
scs
__scs_entry_jumppad:
0x0: {  	(pc) =	sbr.rel $0x88, $3  }
0x1: {  	(tag) =	ssettag $0x0;
	lr =	simm.s32 $0x1  }
0x2: {  	[smem:$0x3F9F] =	sst lr;
	_ =	strace $0xD0000000  }
0x3: {  	_ = 	snop  }
0x4: {  	_ = 	snop  }
0x5: {  	_ = 	snop  }
0x6: {  	_ = 	snop  }
0x7: {  	_ = 	snop  }
__scs_overlays_trampoline_lowered:
0x8: {  	[smem:$0x3FAE] =	sst s0  }
0x9: {  	[smem:$0x3FAF] =	sst s1  }
0xa: {  	[smem:$0x3FB0] =	sst s2  }
0xb: {  	[smem:$0x3FB1] =	sst s3  }
0xc: {  	[smem:$0x3FB2] =	sst s4  }
0xd: {  	[smem:$0x3FB3] =	sst s5  }
0xe: {  	[smem:$0x3FB4] =	sst s6  }
0xf: {  	[smem:$0x3FB5] =	sst s7  }
0x10: {  	[smem:$0x3FB6] =	sst s8  }
0x11: {  	[smem:$0x3FB7] =	sst s9;
	s0 =	simm.s32 @!p0 $0x0  }
0x12: {  	s1 =	sld [smem:$0x3F9D];
	s0 =	simm.s32 @p0 $0x1  }
0x13: {  	[smem:$0x3FB8] =	sst s0;
	s0 =	simm.s32 @!p1 $0x0  }
0x14: {  	s2 =	sld [smem:$0x3F9C];
	s0 =	simm.s32 @p1 $0x1  }
0x15: {  	[smem:$0x3FB9] =	sst s0;
	s0 =	simm.s32 @!p2 $0x0  }
0x16: {  	s3 =	sld [smem:$0x3FDB];
	s0 =	simm.s32 @p2 $0x1  }
0x17: {  	s4 =	simm.s32 $0x1BF5;
	[smem:$0x3FBB] =	sst s0  }
0x18: {  	s0 =	sld [smem:$0x3F9E];
	_ =	swait.ge [sflag:s4], $0x0  }
0x19: {  	s7 =	sld [smem:$0x3F9F]  }
0x1a: {  	s8 =	sadd.s32 $0xFFFFE003, lr  }
0x1b: {  	s9 =	sadd.s32 $0xFFFFFEF7, lr;
	s5 =	simm.s32 $0xFFFFFFFF;
	p2 =	slt.u32 s8, $0xFFFFF086  }
0x1c: {  	p1 =	slt.u32 s9, $0xF7A;
	s5 =	simm.s32 @!p2 $0x0  }
0x1d: {  	s5 =	simm.s32 @p1 $0x1;
	p0 =	seq.s32 s7, s2  }
0x1e: {  	s7 =	smul.u32 @!p0 $0xF7A, s2;
	p2 =	seq.s32 @!p0 s5, $0x0  }
0x1f: {  	s9 =	smul.u32 $0xF7A, s1;
	s8 =	simm.s32 @!p0 $0x1BF5;
	p2 =	por !p2, p0  }
0x20: {  	[sflag:s8] =	ssyncset.s32 @!p0 $0xFFFFF086;
	s6 =	sadd.s32 @!p0 s3, s7;
	s7 =	simm.s32 @!p0 $0x108  }
0x21: {  	s3 =	sadd.s32 s3, s9;
	s6 =	sadd.s32 @!p0 $0x88, s6;
	s7 =	simm.s32 @p2 $0x1082  }
0x22: {  	[simem:s7], [sflag:s8] =	dma.local @!p0 [hbm:s6], $0xF7A  }
0x23: {  	s9 =	sor.u32 $0xD0000000, s2;
	s6 =	simm.s32 $0x108;
	_ =	swait.ge @!p0 [sflag:s8], $0x0  }
0x24: {  	s3 =	sadd.s32 $0x88, s3;
	s6 =	simm.s32 @!p1 $0x1082;
	[sflag:s4] =	ssyncset.s32 $0xFFFFF086  }
0x25: {  	[simem:s6], [sflag:s4] =	dma.local [hbm:s3], $0xF7A  }
0x26: {  	[smem:$0x3F9F] =	sst s1;
	(tag) =	ssettag s2;
	_ =	strace s9  }
0x27: {  	s1 =	sld [smem:$0x3FAF]  }
0x28: {  	s2 =	sld [smem:$0x3FB0]  }
0x29: {  	s4 =	sld [smem:$0x3FB2]  }
0x2a: {  	p0 =	seq.s32 s5, $0x0;
	s5 =	sld [smem:$0x3FB3]  }
0x2b: {  	s6 =	sld [smem:$0x3FB4]  }
0x2c: {  	s7 =	sld [smem:$0x3FB5]  }
0x2d: {  	s3 =	simm.s32 $0x108;
	s8 =	sld [smem:$0x3FB6]  }
0x2e: {  	s3 =	simm.s32 @!p0 $0x1082;
	s9 =	sld [smem:$0x3FB7]  }
0x2f: {  	lr =	sadd.s32 s0, s3;
	s0 =	sld [smem:$0x3FAE]  }
0x30: {  	s3 =	sld [smem:$0x3FB1]  }
0x31: {  	[smem:$0x3FBA] =	sst s10  }
0x32: {  	s10 =	sld [smem:$0x3FB8];
	_ =	sdelay $0x3  }
0x33: {  	p0 =	seq.s32 s10, $0x1;
	s10 =	sld [smem:$0x3FBA];
	_ =	sdelay $0x3  }
0x34: {  	[smem:$0x3FBA] =	sst s10  }
0x35: {  	s10 =	sld [smem:$0x3FB9];
	_ =	sdelay $0x3  }
0x36: {  	p1 =	seq.s32 s10, $0x1;
	s10 =	sld [smem:$0x3FBA];
	_ =	sdelay $0x3  }
0x37: {  	[smem:$0x3FBA] =	sst s10  }
0x38: {  	s10 =	sld [smem:$0x3FBB]  }
0x39: {  	_ = 	snop;
	(pc) =	sbr.ind lr, $3  }
0x3a: {  	_ = 	snop  }
0x3b: {  	_ = 	snop  }
0x3c: {  	p2 =	seq.s32 s10, $0x1;
	s10 =	sld [smem:$0x3FBA]  }
0x3d: {  	_ =	shalt  }
0x3e: {  	_ =	shalt  }
0x3f: {  	_ =	shalt  }
0x40: {  	_ =	shalt  }
0x41: {  	_ =	shalt  }
0x42: {  	_ =	shalt  }
0x43: {  	_ =	shalt  }
0x44: {  	_ =	shalt  }
0x45: {  	_ =	shalt  }
0x46: {  	_ =	shalt  }
0x47: {  	_ =	shalt  }
0x48: {  	_ =	shalt  }
0x49: {  	_ =	shalt  }
0x4a: {  	_ =	shalt  }
0x4b: {  	_ =	shalt  }
0x4c: {  	_ =	shalt  }
0x4d: {  	_ =	shalt  }
0x4e: {  	_ =	shalt  }
0x4f: {  	_ =	shalt  }
0x50: {  	_ =	shalt  }
0x51: {  	_ =	shalt  }
0x52: {  	_ =	shalt  }
0x53: {  	_ =	shalt  }
0x54: {  	_ =	shalt  }
0x55: {  	_ =	shalt  }
0x56: {  	_ =	shalt  }
0x57: {  	_ =	shalt  }
0x58: {  	_ =	shalt  }
0x59: {  	_ =	shalt  }
0x5a: {  	_ =	shalt  }
0x5b: {  	_ =	shalt  }
0x5c: {  	_ =	shalt  }
0x5d: {  	_ =	shalt  }
0x5e: {  	_ =	shalt  }
0x5f: {  	_ =	shalt  }
0x60: {  	_ =	shalt  }
0x61: {  	_ =	shalt  }
0x62: {  	_ =	shalt  }
0x63: {  	_ =	shalt  }
0x64: {  	_ =	shalt  }
0x65: {  	_ =	shalt  }
0x66: {  	_ =	shalt  }
0x67: {  	_ =	shalt  }
0x68: {  	_ =	shalt  }
0x69: {  	_ =	shalt  }
0x6a: {  	_ =	shalt  }
0x6b: {  	_ =	shalt  }
0x6c: {  	_ =	shalt  }
0x6d: {  	_ =	shalt  }
0x6e: {  	_ =	shalt  }
0x6f: {  	_ =	shalt  }
0x70: {  	_ =	shalt  }
0x71: {  	_ =	shalt  }
0x72: {  	_ =	shalt  }
0x73: {  	_ =	shalt  }
0x74: {  	_ =	shalt  }
0x75: {  	_ =	shalt  }
0x76: {  	_ =	shalt  }
0x77: {  	_ =	shalt  }
0x78: {  	_ =	shalt  }
0x79: {  	_ =	shalt  }
0x7a: {  	_ =	shalt  }
0x7b: {  	_ =	shalt  }
0x7c: {  	_ =	shalt  }
0x7d: {  	_ =	shalt  }
0x7e: {  	_ =	shalt  }
0x7f: {  	_ =	shalt  }
0x80: {  	_ =	shalt  }
0x81: {  	_ =	shalt  }
0x82: {  	_ =	shalt  }
0x83: {  	_ =	shalt  }
0x84: {  	_ =	shalt  }
0x85: {  	_ =	shalt  }
0x86: {  	_ =	shalt  }
0x87: {  	_ =	shalt  }
.Lfunc_end0:
.L_simem_size_0:
called_computation_lowered:
.L_overlay_start_0:
0x88: {  	s2 =	sld [smem:$0x3FD9]  }
0x89: {  	s3 =	sld [smem:$0x3FFE];
	_ =	sdelay $0x1  }
0x8a: {  	s1 =	srdreg.scid  }
0x8b: {  	s0 =	sand.u32 $0x1, s1  }
0x8c: {  	s17 =	sshll.u32 s0, $0xA;
	s2 =	sadd.s32 s3, s2  }
0x8d: {  	s2 =	sadd.s32 s2, s17  }
0x8e: {  	[smem:$0x3FC6] =	sst s2  }
0x8f: {  	_ = 	snop  }
0x90: {  	s2 =	sld [smem:$0x3FC9]  }
0x91: {  	s18 =	sld [smem:$0x3FC8]  }
0x92: {  	s4 =	sld [smem:$0x3FD0];
	(tm) =	ssettm $0x1  }
0x93: {  	s5 =	sld [smem:$0x3FFB];
	_ =	sdelay $0x3  }
0x94: {  	_ =	strace s5  }
0x95: {  	s5 =	sld [smem:$0x3FFC];
	_ =	sdelay $0x3  }
0x96: {  	_ =	strace s5  }
0x97: {  	s5 =	sld [smem:$0x3FFD];
	_ =	sdelay $0x3  }
0x98: {  	_ =	strace s5  }
0x99: {  	_ =	strace $0x8FFFFFFF  }
0x9a: {  	s19 =	sld [smem:$0x3FDB];
	_ =	sdelay $0x1  }
0x9b: {  	s6 =	simm.s32 $_scs_section_size  }
0x9c: {  	s7 =	simm.s32 $_size__tile_overlayer_lowered;
	s8 =	simm.s32 $_tile_overlayer_lowered  }
0x9d: {  	s22 =	simm.s32 $0x1BFF;
	s21 =	sshll.u32 s8, $0x1;
	s5 =	sadd.s32 s6, s19  }
0x9e: {  	s9 =	simm.s32 $0x0;
	s20 =	sshll.u32 s7, $0x1;
	s7 =	sadd.s32 s21, s5  }
0x9f: {  	[timem:s9], [sflag:s22] =	dma.local [hbm:s7], s20  }
0xa0: {  	_ =	swait.ge [sflag:s22], s20  }
0xa1: {  	s6 =	ssub.s32 $0x0, s20;
	[sflag:s22] =	ssyncset.done $0x0  }
0xa2: {  	[sflag:s22] =	ssyncadd.s32 s6;
	_ =	sdelay $0x1  }
0xa3: {  	s23 =	simm.s32 $0x1B8B  }
0xa4: {  	_ =	swait.ge [sflag:s23], $0x1  }
0xa5: {  	[sflag:s23] =	ssyncset.done $0x0  }
0xa6: {  	s25 =	simm.s32 $0x1B8E;
	s24 =	sld [smem:$0x3FFE];
	[sflag:s23] =	ssyncadd.s32 $0xFFFFFFFF  }
0xa7: {  	s26 =	simm.s32 $execute0_lowered;
	[smem:$0x3FD2] =	sst s25  }
0xa8: {  	s7 =	sshll.u32 s26, $0x1;
	_ =	strace $0x80000046;
	[dreg:$0x1] =	wrdreg $0xFFFFFFFF  }
0xa9: {  	s28 =	simm.s32 $_size_execute0_lowered;
	s5 =	sadd.s32 s5, s7;
	[dreg:$0x0] =	wrdreg $0x0  }
0xaa: {  	s7 =	sshll.u32 s28, $0x1;
	[dreg:$0x2] =	wrdreg s5  }
0xab: {  	[dreg:$0x3] =	wrdreg s7  }
0xac: {  	[dreg:$0x4] =	wrdreg $0xC0  }
0xad: {  	_ =	task [dreg:s9], $0x5FFFF  }
0xae: {  	[dreg:$0x1] =	wrdreg $0xFFFFFFFF  }
0xaf: {  	[dreg:$0x0] =	wrdreg $0x60  }
0xb0: {  	[dreg:$0x2] =	wrdreg s4  }
0xb1: {  	[dreg:$0x3] =	wrdreg s2  }
0xb2: {  	[dreg:$0x4] =	wrdreg s18  }
0xb3: {  	[dreg:$0x5] =	wrdreg s24  }
0xb4: {  	[dreg:$0x6] =	wrdreg $0x9  }
0xb5: {  	_ =	task.clear_ibuf [dreg:s9], $0x7FFFF;
	_ =	strace $0x90000046  }
0xb6: {  	s29 =	simm.s32 $0x9;
	_ =	strace $0x80000048  }
0xb7: {  	_ =	swait.ge [sflag:s29], $0x1  }
0xb8: {  	[sflag:s29] =	ssyncadd.s32 $0xFFFFFFFF  }
0xb9: {  	_ =	strace $0x90000048  }
0xba: {  	_ =	sfence  }
0xbb: {  	s30 =	sld [smem:$0x0];
	_ =	sdelay $0x2  }
0xbc: {  	s31 =	sshll.u32 s1, $0xD;
	s1 =	sshrl.u32 s1, $0x2  }
0xbd: {  	s3 =	sand.u32 $0x4000, s31;
	s1 =	sadd.s32 s1, s30  }
0xbe: {  	s0 =	sor.u32 s3, s0;
	s1 =	sshll.u32 s1, $0x11  }
0xbf: {  	s0 =	sor.u32 s1, s0  }
0xc0: {  	s0 =	sadd.s32 $0x8F2B, s0  }
0xc1: {  	[sflag:s0] =	ssyncadd.remote.s32 $0x1  }
0xc2: {  	_ =	sfence.sel $0xFFFF  }
0xc3: {  	[dreg:$0x0] =	wrdreg $0xFFFFFFFF;
	(pc) =	sbr.abs _section_cstart, $3  }
0xc4: {  	[dreg:$0x1] =	wrdreg $0xFFFFFFFF  }
0xc5: {  	_ =	task.clear_ibuf [dreg:s9], $0x2FFFF;
	_ =	strace $0x9FFFFFFF  }
0xc6: {  	(tm) =	ssettm $0x7FFFFFFF  }
0xc7: {  	_ =	shalt  }
tec
execute0_lowered:
.L_overlay_start_1:
0x0: {  	(tag) =	ssettag $0x1  }
0x1: {  	s5 =	rddreg [dreg:$0x0]  }
0x2: {  	s1 =	rddreg [dreg:$0x1]  }
0x3: {  	s2 =	rddreg [dreg:$0x2]  }
0x4: {  	s6 =	rddreg [dreg:$0x3]  }
0x5: {  	s0 =	rddreg [dreg:$0x4];
	s4 =	simm.s32 $0x0  }
0x6: {  	s3 =	stileid.u32;
	s7 =	srdreg.scid;
	s12 =	simm.s32 $0x6000  }
0x7: {  	s13 =	simm.s32 $0x1;
	s14 =	simm.s32 $0x2;
	s15 =	simm.s32 $0x0  }
0x8: {  	[smem:$0x7FF] =	sst s4;
	s8 =	sshll.u32 s3, $0x12;
	s7 =	sand.u32 $0x1, s7  }
0x9: {  	s10 =	sshll.u32 s3, $0xE;
	_ =	strace $0x80000047;
	s9 =	ssub.s32 $0x2, s7  }
0xa: {  	s11 =	sshll.u32 s7, $0xD;
	s8 =	sadd.s32 s8, s6;
	s7 =	sshll.u32 s7, $0x11  }
0xb: {  	s30 =	sshrl.u32 s9, $0x1;
	s10 =	sor.u32 s11, s10;
	s8 =	sadd.s32 s7, s8  }
0xc: {  	s11 =	simm.s32 $0x2000;
	s6 =	ssub.s32 s9, s30;
	s31 =	sshrl.u32 s10, $0x3  }
0xd: {  	s7 =	sadd.s32 $0x400C00, s8;
	s8 =	sadd.s32 $0xC00, s8;
	s9 =	simm.s32 $0x3  }
0xe: {  	s10 =	simm.s32 $0x80;
	s5 =	sadd.s32 s5, s31;
	s6 =	smax.u32 s6, $0x1  }
.LBB2_1:
0xf: {  	[tilespmem:s4], [sflag:$0x3] =	stream.linear.gather [hbm4b:s5+s4], $0x2000, $0x38;
	[tilespmem:$0xA000] =	vst v63  }
0x10: {  	_ =	swait.ge [sflag:s9], $0x2000  }
0x11: {  	[sflag:s9] =	ssyncset.done $0x0  }
0x12: {  	[sflag:s9] =	ssyncadd.s32 $0xFFFFE000  }
0x13: {  	[tilespmem:s11], [sflag:$0x1] =	stream.indirect.gather [hbm4b:s1+s10], $0x80, s4, s10, $0xb8;
	[tilespmem:$0xA000] =	vst v63  }
0x14: {  	_ = 	snop  }
0x15: {  	[tilespmem:s12], [sflag:$0x2] =	stream.indirect.gather [hbm4b:s2+s10], $0x80, s4, s10, $0xb8;
	[tilespmem:$0xA000] =	vst v63  }
0x16: {  	_ =	swait.ge [sflag:s13], $0x4000  }
0x17: {  	[sflag:s13] =	ssyncset.done $0x0  }
0x18: {  	[sflag:s13] =	ssyncadd.s32 $0xFFFFC000  }
0x19: {  	_ =	swait.ge [sflag:s14], $0x4000  }
0x1a: {  	[sflag:s14] =	ssyncset.done $0x0  }
0x1b: {  	s16 =	sadd.s32 $0x0, s8;
	[sflag:s14] =	ssyncadd.s32 $0xFFFFC000  }
0x1c: {  	[hbm4b:s16+s4] =	stream.linear.scatter [tilespmem:s11], [sflag:$0x3], $0x4000, $0x38;
	[tilespmem:$0xA000] =	vst v63  }
0x1d: {  	_ =	swait.ge [sflag:s9], $0x4000  }
0x1e: {  	[sflag:s9] =	ssyncset.done $0x0  }
0x1f: {  	s31 =	sadd.s32 $0x0, s7;
	[sflag:s9] =	ssyncadd.s32 $0xFFFFC000  }
0x20: {  	[hbm4b:s31+s4] =	stream.linear.scatter [tilespmem:s12], [sflag:$0x3], $0x4000, $0x38;
	[tilespmem:$0xA000] =	vst v63  }
0x21: {  	_ =	swait.ge [sflag:s9], $0x4000  }
0x22: {  	s17 =	simm.s32 $0x0;
	s16 =	simm.s32 $0x800;
	[sflag:s9] =	ssyncset.done $0x0  }
.LBB2_2:
0x23: {  	p0 =	sne.s32 s16, $0x1F800;
	[sflag:s9] =	ssyncadd.s32 $0xFFFFC000;
	s17 =	sadd.s32 $0x80, s17  }
0x24: {  	[tilespmem:s11], [sflag:$0x1] =	stream.indirect.gather [hbm4b:s1+s10], $0x80, s17, s10, $0xb8;
	[tilespmem:$0xA000] =	vst v63  }
0x25: {  	s18 =	smov.u32 s16;
	s16 =	sadd.s32 $0x800, s16  }
0x26: {  	[tilespmem:s12], [sflag:$0x2] =	stream.indirect.gather [hbm4b:s2+s10], $0x80, s17, s10, $0xb8;
	[tilespmem:$0xA000] =	vst v63  }
0x27: {  	_ =	swait.ge [sflag:s13], $0x4000  }
0x28: {  	[sflag:s13] =	ssyncset.done $0x0  }
0x29: {  	[sflag:s13] =	ssyncadd.s32 $0xFFFFC000  }
0x2a: {  	_ =	swait.ge [sflag:s14], $0x4000  }
0x2b: {  	[sflag:s14] =	ssyncset.done $0x0  }
0x2c: {  	s19 =	sadd.s32 s18, s8;
	[sflag:s14] =	ssyncadd.s32 $0xFFFFC000  }
0x2d: {  	[hbm4b:s19+s4] =	stream.linear.scatter [tilespmem:s11], [sflag:$0x3], $0x4000, $0x38;
	[tilespmem:$0xA000] =	vst v63  }
0x2e: {  	_ =	swait.ge [sflag:s9], $0x4000  }
.Ltmp0:
0x2f: {  	[sflag:s9] =	ssyncset.done $0x0;
	(pc) =	sbr.rel @p0 .LBB2_2-.Ltmp0, $4  }
0x30: {  	s18 =	sadd.s32 s18, s7;
	[sflag:s9] =	ssyncadd.s32 $0xFFFFC000  }
0x31: {  	[hbm4b:s18+s4] =	stream.linear.scatter [tilespmem:s12], [sflag:$0x3], $0x4000, $0x38;
	[tilespmem:$0xA000] =	vst v63  }
0x32: {  	_ =	swait.ge [sflag:s9], $0x4000  }
0x33: {  	[sflag:s9] =	ssyncset.done $0x0  }
0x34: {  	s15 =	sadd.s32 $0x1, s15  }
0x35: {  	p0 =	sne.s32 s15, s6  }
.Ltmp1:
0x36: {  	_ = 	snop;
	(pc) =	sbr.rel @p0 .LBB2_1-.Ltmp1, $2  }
0x37: {  	_ =	sdelay $0x2  }
0x38: {  	[sflag:s9] =	ssyncadd.s32 $0xFFFFC000  }
0x39: {  	_ =	sfence.sel $0x180000  }
0x3a: {  	[bflag:$0x0] =	sbarrier.arrive $0xFFFF  }
0x3b: {  	p0 =	sne.s32 s3, $0x0;
	_ =	strace $0x90000047  }
0x3c: {  	s0 =	sadd.s32 @!p0 $0x100000, s0;
	[bflag:$0x2] =	sbarrier.arrive $0xFFFF  }
0x3d: {  	[sflag:s0] =	ssyncadd.tile.s32 @!p0 $0x1;
	_ =	shalt  }
.Lfunc_end2:
_tile_overlayer_lowered:
.L_overlay_start_2:
0x3e: {  	(tag) =	ssettag $0x2  }
0x3f: {  	s0 =	rddreg [dreg:$0x0];
	s2 =	stileid.u32  }
0x40: {  	s1 =	rddreg [dreg:$0x1];
	p0 =	sne.s32 s2, $0x0  }
0x41: {  	s3 =	rddreg [dreg:$0x2];
	[bflag:$0x3] =	sbarrier.arrive $0xFFFF;
	s2 =	simm.s32 @!p0 $0x1C03  }
0x42: {  	[timem:s3], [sflag:s2] =	dma.local @!p0 [hbm:s0], s1  }
0x43: {  	s0 =	simm.s32 @!p0 $0x3  }
0x44: {  	_ =	swait.ge @!p0 [sflag:s0], s1  }
0x45: {  	s1 =	ssub.s32 @!p0 $0x0, s1;
	[sflag:s0] =	ssyncset.done @!p0 $0x0  }
0x46: {  	[sflag:s0] =	ssyncadd.s32 @!p0 s1  }
0x47: {  	[bflag:$0x3] =	sbarrier.arrive $0xFFFF  }
0x48: {  	_ =	shalt  }

</sc_bundles>
